<compile_context>
chip_gen: v7x
topology: tpu7x:2x2x1
jax: 0.10.2.dev20260603
libtpu: 0.0.44.dev20260713+nightly
codegen_flags: <defaults>
</compile_context>

<pallas_src>
import dataclasses
import functools

import jax
import jax.numpy as jnp
from jax import lax
from jax.experimental import pallas as pl
from jax.experimental.pallas import tpu as pltpu
from jax.experimental.pallas import tpu_sc as plsc

_WD = 0.025
_NW = 32
_LANES = 16
_CHUNK = 128


def _sc_gather_dot(u, i, j, W, H, batch):
    rows_per_w = batch // _NW
    n_chunks = rows_per_w // _CHUNK
    dim = W.shape[1]
    mesh = plsc.VectorSubcoreMesh(core_axis_name="c", subcore_axis_name="s")
    cp = pltpu.CompilerParams()
    if "needs_layout_passes" in pltpu.CompilerParams.__dataclass_fields__:
        cp = dataclasses.replace(cp, needs_layout_passes=False)

    @functools.partial(
        pl.kernel,
        out_type=jax.ShapeDtypeStruct((batch * 2 * _LANES,), jnp.float32),
        mesh=mesh,
        compiler_params=cp,
        scratch_types=[
            pltpu.VMEM((rows_per_w,), jnp.int32),
            pltpu.VMEM((rows_per_w,), jnp.int32),
            pltpu.VMEM((rows_per_w,), jnp.int32),
            pltpu.VMEM((2, _CHUNK, dim), jnp.float32),
            pltpu.VMEM((2, _CHUNK, dim), jnp.float32),
            pltpu.VMEM((2, _CHUNK, dim), jnp.float32),
            pltpu.VMEM((rows_per_w * 2 * _LANES,), jnp.float32),
            pltpu.SemaphoreType.DMA((2,)),
            pltpu.SemaphoreType.DMA,
        ],
    )
    def sc_kernel(u_hbm, i_hbm, j_hbm, w_hbm, h_hbm, x_hbm,
                  uidx, iidx, jidx, urows, irows, jrows, xout,
                  gsem, isem):
        wid = lax.axis_index("s") * 2 + lax.axis_index("c")
        base = wid * rows_per_w
        ih = (
            pltpu.async_copy(u_hbm.at[pl.ds(base, rows_per_w)], uidx, isem),
            pltpu.async_copy(i_hbm.at[pl.ds(base, rows_per_w)], iidx, isem),
            pltpu.async_copy(j_hbm.at[pl.ds(base, rows_per_w)], jidx, isem),
        )
        for h in ih:
            h.wait()

        def fire_dyn(coff, b):
            pltpu.async_copy(
                w_hbm.at[uidx.at[pl.ds(coff, _CHUNK)]], urows.at[b],
                gsem.at[b])
            pltpu.async_copy(
                h_hbm.at[iidx.at[pl.ds(coff, _CHUNK)]], irows.at[b],
                gsem.at[b])
            pltpu.async_copy(
                h_hbm.at[jidx.at[pl.ds(coff, _CHUNK)]], jrows.at[b],
                gsem.at[b])

        def wait_gathers(b):
            pltpu.make_async_copy(
                w_hbm.at[uidx.at[pl.ds(0, _CHUNK)]], urows.at[b],
                gsem.at[b]).wait()
            pltpu.make_async_copy(
                h_hbm.at[iidx.at[pl.ds(0, _CHUNK)]], irows.at[b],
                gsem.at[b]).wait()
            pltpu.make_async_copy(
                h_hbm.at[jidx.at[pl.ds(0, _CHUNK)]], jrows.at[b],
                gsem.at[b]).wait()

        fire_dyn(0, 0)
        fire_dyn(_CHUNK, 1)

        @pl.loop(0, n_chunks)
        def _(c):
            k = lax.rem(c, 2)
            wait_gathers(k)

            @plsc.parallel_loop(0, _CHUNK, unroll=1)
            def _(r):
                acc = su = si = sj = None
                for d in range(dim // _LANES):
                    sl = pl.ds(d * _LANES, _LANES)
                    uv = urows[k, r, sl]
                    iv = irows[k, r, sl]
                    jv = jrows[k, r, sl]
                    px = uv * (iv - jv)
                    if d == 0:
                        acc, su, si, sj = px, uv * uv, iv * iv, jv * jv
                    else:
                        acc = acc + px
                        su = su + uv * uv
                        si = si + iv * iv
                        sj = sj + jv * jv
                ar = c * _CHUNK + r
                xout[pl.ds(ar * 2 * _LANES, _LANES)] = acc
                xout[pl.ds(ar * 2 * _LANES + _LANES, _LANES)] = (su + si) + sj

            @pl.when(c + 2 < n_chunks)
            def _():
                fire_dyn((c + 2) * _CHUNK, k)

        pltpu.sync_copy(
            xout, x_hbm.at[pl.ds(base * 2 * _LANES, rows_per_w * 2 * _LANES)])

    return sc_kernel(u, i, j, W, H)


def _tc_loss(xpart):
    def body(x_ref, o_ref):
        x2 = x_ref[...]
        lmap = lax.broadcasted_iota(jnp.int32, (128, 8), 0)
        gmap = lax.broadcasted_iota(jnp.int32, (128, 8), 1)
        sel = ((lmap // (2 * _LANES) == gmap % 4)
               & ((lmap % (2 * _LANES) < _LANES) == (gmap < 4))
               ).astype(jnp.bfloat16)
        both = lax.dot_general(
            x2.astype(jnp.bfloat16), sel, (((1,), (0,)), ((), ())),
            preferred_element_type=jnp.float32)
        ls = jax.nn.log_sigmoid(both[:, :4])
        reg = _WD * jnp.sum(both[:, 4:])
        o_ref[0, 0] = reg - jnp.sum(ls)

    out = pl.pallas_call(
        body,
        out_shape=jax.ShapeDtypeStruct((1, 1), jnp.float32),
        out_specs=pl.BlockSpec(memory_space=pltpu.SMEM),
    )(xpart.reshape(-1, 128))
    return out[0, 0]


def kernel(u, i, j, W, H):
    u = u.astype(jnp.int32)
    i = i.astype(jnp.int32)
    j = j.astype(jnp.int32)
    x = _sc_gather_dot(u, i, j, W, H, u.shape[0])
    return _tc_loss(x)

# --- scband reference (transcript-rebuilt; emitter-appended) ---
"""Pipeline reference for scband-bpr-48490180772567 (READ-ONLY COPY).

The authoritative reference and input builder live on the scoring server;
editing this copy changes nothing except your own understanding.
"""

import jax, jax.numpy as jnp
import numpy as np

N_USER = 100000
N_ITEM = 100000
DIM = 128
BATCH = 16384
WEIGHT_DECAY = 0.025


def setup_inputs(seed: int = 0) -> dict:
    key = jax.random.key(seed)
    ku, ki, kj, kW, kH = jax.random.split(key, 5)
    u = jax.random.randint(ku, (BATCH,), 0, N_USER, dtype=jnp.int64) if jax.config.jax_enable_x64 else jax.random.randint(ku, (BATCH,), 0, N_USER, dtype=jnp.int32)
    i = jax.random.randint(ki, (BATCH,), 0, N_ITEM, dtype=u.dtype)
    j = jax.random.randint(kj, (BATCH,), 0, N_ITEM, dtype=u.dtype)
    # xavier_normal init: std = sqrt(2 / (fan_in + fan_out))
    std = float(np.sqrt(2.0 / (N_USER + DIM)))
    W = jax.random.normal(kW, (N_USER, DIM), dtype=jnp.float32) * std
    std_h = float(np.sqrt(2.0 / (N_ITEM + DIM)))
    H = jax.random.normal(kH, (N_ITEM, DIM), dtype=jnp.float32) * std_h
    return {"u": u, "i": i, "j": j, "W": W, "H": H}


def reference(u, i, j, W, H):
    u_e = jnp.take(W, u, axis=0)
    i_e = jnp.take(H, i, axis=0)
    j_e = jnp.take(H, j, axis=0)
    x_ui = jnp.sum(u_e * i_e, axis=1)
    x_uj = jnp.sum(u_e * j_e, axis=1)
    x_uij = x_ui - x_uj
    log_prob = jnp.sum(jax.nn.log_sigmoid(x_uij))
    regularization = WEIGHT_DECAY * (
        jnp.sum(jnp.linalg.norm(u_e, axis=1) ** 2)
        + jnp.sum(jnp.linalg.norm(i_e, axis=1) ** 2)
        + jnp.sum(jnp.linalg.norm(j_e, axis=1) ** 2)
    )
    return -log_prob + regularization

if __name__ == "__main__":
    import jax
    _d = setup_inputs()
    print(jax.jit(kernel)(*tuple(_d.values())))

</pallas_src>

<mosaic_0001>
#map = affine_map<(d0, d1) -> (0)>
#map1 = affine_map<(d0, d1) -> (0, 0)>
module attributes {stable_mosaic.version = 14 : i64} {
  func.func @sc_kernel(%arg0: i32, %arg1: i32, %arg2: memref<16384xi32, #tpu.memory_space<hbm>>, %arg3: memref<16384xi32, #tpu.memory_space<hbm>>, %arg4: memref<16384xi32, #tpu.memory_space<hbm>>, %arg5: memref<100000x128xf32, #tpu.memory_space<hbm>>, %arg6: memref<100000x128xf32, #tpu.memory_space<hbm>>, %arg7: memref<524288xf32, #tpu.memory_space<hbm>>, %arg8: memref<512xi32, #tpu.memory_space<vmem>>, %arg9: memref<512xi32, #tpu.memory_space<vmem>>, %arg10: memref<512xi32, #tpu.memory_space<vmem>>, %arg11: memref<2x128x128xf32, #tpu.memory_space<vmem>>, %arg12: memref<2x128x128xf32, #tpu.memory_space<vmem>>, %arg13: memref<2x128x128xf32, #tpu.memory_space<vmem>>, %arg14: memref<16384xf32, #tpu.memory_space<vmem>>, %arg15: memref<2x!tpu.dma_semaphore, #tpu.memory_space<semaphore_mem>>, %arg16: memref<!tpu.dma_semaphore, #tpu.memory_space<semaphore_mem>>) attributes {dimension_semantics = [#tpu.dimension_semantics<core_parallel>, #tpu.dimension_semantics<subcore_parallel>], iteration_bounds = array<i64: 2, 16>, scalar_prefetch = 0 : i64, scratch_operands = 9 : i64, tpu.core_type = #tpu.core_type<sc_vector_subcore>, window_params = [{transform_indices = #map}, {transform_indices = #map}, {transform_indices = #map}, {transform_indices = #map1}, {transform_indices = #map1}, {transform_indices = #map}]} {
    %mul3A = arith.constant 2 : i32
    %mul3A_0 = arith.muli %arg1, %mul3A : i32
    %add3A = arith.addi %mul3A_0, %arg0 : i32
    %mul3A_1 = arith.constant 512 : i32
    %mul3A_2 = arith.muli %add3A, %mul3A_1 : i32
    %dma_start3A = tpu.memref_slice %arg2[%mul3A_2] : memref<16384xi32, #tpu.memory_space<hbm>> -> memref<512xi32, #tpu.memory_space<hbm>>
    %dma_start3A_3 = tpu.memref_slice %arg2[%mul3A_2] : memref<16384xi32, #tpu.memory_space<hbm>> -> memref<512xi32, #tpu.memory_space<hbm>>
    tpu.enqueue_dma source(%dma_start3A_3 : memref<512xi32, #tpu.memory_space<hbm>>) target(%arg8 : memref<512xi32, #tpu.memory_space<vmem>>) target_semaphore(%arg16 : memref<!tpu.dma_semaphore, #tpu.memory_space<semaphore_mem>>)
    %dma_start3A_4 = tpu.memref_slice %arg3[%mul3A_2] : memref<16384xi32, #tpu.memory_space<hbm>> -> memref<512xi32, #tpu.memory_space<hbm>>
    %dma_start3A_5 = tpu.memref_slice %arg3[%mul3A_2] : memref<16384xi32, #tpu.memory_space<hbm>> -> memref<512xi32, #tpu.memory_space<hbm>>
    tpu.enqueue_dma source(%dma_start3A_5 : memref<512xi32, #tpu.memory_space<hbm>>) target(%arg9 : memref<512xi32, #tpu.memory_space<vmem>>) target_semaphore(%arg16 : memref<!tpu.dma_semaphore, #tpu.memory_space<semaphore_mem>>)
    %dma_start3A_6 = tpu.memref_slice %arg4[%mul3A_2] : memref<16384xi32, #tpu.memory_space<hbm>> -> memref<512xi32, #tpu.memory_space<hbm>>
    %dma_start3A_7 = tpu.memref_slice %arg4[%mul3A_2] : memref<16384xi32, #tpu.memory_space<hbm>> -> memref<512xi32, #tpu.memory_space<hbm>>
    tpu.enqueue_dma source(%dma_start3A_7 : memref<512xi32, #tpu.memory_space<hbm>>) target(%arg10 : memref<512xi32, #tpu.memory_space<vmem>>) target_semaphore(%arg16 : memref<!tpu.dma_semaphore, #tpu.memory_space<semaphore_mem>>)
    %dma_wait3A = tpu.memref_slice %arg2[%mul3A_2] : memref<16384xi32, #tpu.memory_space<hbm>> -> memref<512xi32, #tpu.memory_space<hbm>>
    %dma_wait3A_8 = tpu.memref_slice %arg2[%mul3A_2] : memref<16384xi32, #tpu.memory_space<hbm>> -> memref<512xi32, #tpu.memory_space<hbm>>
    tpu.wait_dma2 semaphore(%arg16 : memref<!tpu.dma_semaphore, #tpu.memory_space<semaphore_mem>>) src(%dma_wait3A_8 : memref<512xi32, #tpu.memory_space<hbm>>) dst(%arg8 : memref<512xi32, #tpu.memory_space<vmem>>)
    %dma_wait3A_9 = tpu.memref_slice %arg3[%mul3A_2] : memref<16384xi32, #tpu.memory_space<hbm>> -> memref<512xi32, #tpu.memory_space<hbm>>
    %dma_wait3A_10 = tpu.memref_slice %arg3[%mul3A_2] : memref<16384xi32, #tpu.memory_space<hbm>> -> memref<512xi32, #tpu.memory_space<hbm>>
    tpu.wait_dma2 semaphore(%arg16 : memref<!tpu.dma_semaphore, #tpu.memory_space<semaphore_mem>>) src(%dma_wait3A_10 : memref<512xi32, #tpu.memory_space<hbm>>) dst(%arg9 : memref<512xi32, #tpu.memory_space<vmem>>)
    %dma_wait3A_11 = tpu.memref_slice %arg4[%mul3A_2] : memref<16384xi32, #tpu.memory_space<hbm>> -> memref<512xi32, #tpu.memory_space<hbm>>
    %dma_wait3A_12 = tpu.memref_slice %arg4[%mul3A_2] : memref<16384xi32, #tpu.memory_space<hbm>> -> memref<512xi32, #tpu.memory_space<hbm>>
    tpu.wait_dma2 semaphore(%arg16 : memref<!tpu.dma_semaphore, #tpu.memory_space<semaphore_mem>>) src(%dma_wait3A_12 : memref<512xi32, #tpu.memory_space<hbm>>) dst(%arg10 : memref<512xi32, #tpu.memory_space<vmem>>)
    %dma_start3A_13 = arith.constant 0 : i32
    %dma_start3A_14 = arith.constant 0 : i32
    %dma_start3A_15 = arith.constant 0 : i32
    %dma_start3A_16 = arith.constant 0 : i32
    %dma_start3A_17 = tpu.memref_slice %arg11[%dma_start3A_13, %dma_start3A_15, %dma_start3A_16] : memref<2x128x128xf32, #tpu.memory_space<vmem>> -> memref<1x128x128xf32, #tpu.memory_space<vmem>>
    %dma_start3A_18 = tpu.memref_squeeze %dma_start3A_17 : memref<1x128x128xf32, #tpu.memory_space<vmem>> -> memref<128x128xf32, #tpu.memory_space<vmem>>
    %dma_start3A_19 = arith.constant 0 : i32
    %dma_start3A_20 = tpu.memref_slice %arg8[%dma_start3A_19] : memref<512xi32, #tpu.memory_space<vmem>> -> memref<128xi32, #tpu.memory_space<vmem>>
    %dma_start3A_21 = arith.constant 0 : i32
    %dma_start3A_22 = arith.constant 0 : i32
    %dma_start3A_23 = tpu.memref_slice %arg5[%dma_start3A_21, %dma_start3A_22] : memref<100000x128xf32, #tpu.memory_space<hbm>> -> memref<100000x128xf32, #tpu.memory_space<hbm>>
    %dma_start3A_24 = tpu.memref_slice %arg15[%dma_start3A_14] : memref<2x!tpu.dma_semaphore, #tpu.memory_space<semaphore_mem>> -> memref<1x!tpu.dma_semaphore, #tpu.memory_space<semaphore_mem>>
    %dma_start3A_25 = tpu.memref_squeeze %dma_start3A_24 : memref<1x!tpu.dma_semaphore, #tpu.memory_space<semaphore_mem>> -> memref<!tpu.dma_semaphore, #tpu.memory_space<semaphore_mem>>
    tpu.enqueue_indirect_dma source(%dma_start3A_23 : memref<100000x128xf32, #tpu.memory_space<hbm>>) target(%dma_start3A_18 : memref<128x128xf32, #tpu.memory_space<vmem>>) offsets(%dma_start3A_20 : memref<128xi32, #tpu.memory_space<vmem>>) semaphore(%dma_start3A_25 : memref<!tpu.dma_semaphore, #tpu.memory_space<semaphore_mem>>)
    %dma_start3A_26 = arith.constant 0 : i32
    %dma_start3A_27 = arith.constant 0 : i32
    %dma_start3A_28 = arith.constant 0 : i32
    %dma_start3A_29 = arith.constant 0 : i32
    %dma_start3A_30 = tpu.memref_slice %arg12[%dma_start3A_26, %dma_start3A_28, %dma_start3A_29] : memref<2x128x128xf32, #tpu.memory_space<vmem>> -> memref<1x128x128xf32, #tpu.memory_space<vmem>>
    %dma_start3A_31 = tpu.memref_squeeze %dma_start3A_30 : memref<1x128x128xf32, #tpu.memory_space<vmem>> -> memref<128x128xf32, #tpu.memory_space<vmem>>
    %dma_start3A_32 = arith.constant 0 : i32
    %dma_start3A_33 = tpu.memref_slice %arg9[%dma_start3A_32] : memref<512xi32, #tpu.memory_space<vmem>> -> memref<128xi32, #tpu.memory_space<vmem>>
    %dma_start3A_34 = arith.constant 0 : i32
    %dma_start3A_35 = arith.constant 0 : i32
    %dma_start3A_36 = tpu.memref_slice %arg6[%dma_start3A_34, %dma_start3A_35] : memref<100000x128xf32, #tpu.memory_space<hbm>> -> memref<100000x128xf32, #tpu.memory_space<hbm>>
    %dma_start3A_37 = tpu.memref_slice %arg15[%dma_start3A_27] : memref<2x!tpu.dma_semaphore, #tpu.memory_space<semaphore_mem>> -> memref<1x!tpu.dma_semaphore, #tpu.memory_space<semaphore_mem>>
    %dma_start3A_38 = tpu.memref_squeeze %dma_start3A_37 : memref<1x!tpu.dma_semaphore, #tpu.memory_space<semaphore_mem>> -> memref<!tpu.dma_semaphore, #tpu.memory_space<semaphore_mem>>
    tpu.enqueue_indirect_dma source(%dma_start3A_36 : memref<100000x128xf32, #tpu.memory_space<hbm>>) target(%dma_start3A_31 : memref<128x128xf32, #tpu.memory_space<vmem>>) offsets(%dma_start3A_33 : memref<128xi32, #tpu.memory_space<vmem>>) semaphore(%dma_start3A_38 : memref<!tpu.dma_semaphore, #tpu.memory_space<semaphore_mem>>)
    %dma_start3A_39 = arith.constant 0 : i32
    %dma_start3A_40 = arith.constant 0 : i32
    %dma_start3A_41 = arith.constant 0 : i32
    %dma_start3A_42 = arith.constant 0 : i32
    %dma_start3A_43 = tpu.memref_slice %arg13[%dma_start3A_39, %dma_start3A_41, %dma_start3A_42] : memref<2x128x128xf32, #tpu.memory_space<vmem>> -> memref<1x128x128xf32, #tpu.memory_space<vmem>>
    %dma_start3A_44 = tpu.memref_squeeze %dma_start3A_43 : memref<1x128x128xf32, #tpu.memory_space<vmem>> -> memref<128x128xf32, #tpu.memory_space<vmem>>
    %dma_start3A_45 = arith.constant 0 : i32
    %dma_start3A_46 = tpu.memref_slice %arg10[%dma_start3A_45] : memref<512xi32, #tpu.memory_space<vmem>> -> memref<128xi32, #tpu.memory_space<vmem>>
    %dma_start3A_47 = arith.constant 0 : i32
    %dma_start3A_48 = arith.constant 0 : i32
    %dma_start3A_49 = tpu.memref_slice %arg6[%dma_start3A_47, %dma_start3A_48] : memref<100000x128xf32, #tpu.memory_space<hbm>> -> memref<100000x128xf32, #tpu.memory_space<hbm>>
    %dma_start3A_50 = tpu.memref_slice %arg15[%dma_start3A_40] : memref<2x!tpu.dma_semaphore, #tpu.memory_space<semaphore_mem>> -> memref<1x!tpu.dma_semaphore, #tpu.memory_space<semaphore_mem>>
    %dma_start3A_51 = tpu.memref_squeeze %dma_start3A_50 : memref<1x!tpu.dma_semaphore, #tpu.memory_space<semaphore_mem>> -> memref<!tpu.dma_semaphore, #tpu.memory_space<semaphore_mem>>
    tpu.enqueue_indirect_dma source(%dma_start3A_49 : memref<100000x128xf32, #tpu.memory_space<hbm>>) target(%dma_start3A_44 : memref<128x128xf32, #tpu.memory_space<vmem>>) offsets(%dma_start3A_46 : memref<128xi32, #tpu.memory_space<vmem>>) semaphore(%dma_start3A_51 : memref<!tpu.dma_semaphore, #tpu.memory_space<semaphore_mem>>)
    %dma_start3A_52 = arith.constant 1 : i32
    %dma_start3A_53 = arith.constant 1 : i32
    %dma_start3A_54 = arith.constant 0 : i32
    %dma_start3A_55 = arith.constant 0 : i32
    %dma_start3A_56 = tpu.memref_slice %arg11[%dma_start3A_52, %dma_start3A_54, %dma_start3A_55] : memref<2x128x128xf32, #tpu.memory_space<vmem>> -> memref<1x128x128xf32, #tpu.memory_space<vmem>>
    %dma_start3A_57 = tpu.memref_squeeze %dma_start3A_56 : memref<1x128x128xf32, #tpu.memory_space<vmem>> -> memref<128x128xf32, #tpu.memory_space<vmem>>
    %dma_start3A_58 = arith.constant 128 : i32
    %dma_start3A_59 = tpu.memref_slice %arg8[%dma_start3A_58] : memref<512xi32, #tpu.memory_space<vmem>> -> memref<128xi32, #tpu.memory_space<vmem>>
    %dma_start3A_60 = arith.constant 0 : i32
    %dma_start3A_61 = arith.constant 0 : i32
    %dma_start3A_62 = tpu.memref_slice %arg5[%dma_start3A_60, %dma_start3A_61] : memref<100000x128xf32, #tpu.memory_space<hbm>> -> memref<100000x128xf32, #tpu.memory_space<hbm>>
    %dma_start3A_63 = tpu.memref_slice %arg15[%dma_start3A_53] : memref<2x!tpu.dma_semaphore, #tpu.memory_space<semaphore_mem>> -> memref<1x!tpu.dma_semaphore, #tpu.memory_space<semaphore_mem>>
    %dma_start3A_64 = tpu.memref_squeeze %dma_start3A_63 : memref<1x!tpu.dma_semaphore, #tpu.memory_space<semaphore_mem>> -> memref<!tpu.dma_semaphore, #tpu.memory_space<semaphore_mem>>
    tpu.enqueue_indirect_dma source(%dma_start3A_62 : memref<100000x128xf32, #tpu.memory_space<hbm>>) target(%dma_start3A_57 : memref<128x128xf32, #tpu.memory_space<vmem>>) offsets(%dma_start3A_59 : memref<128xi32, #tpu.memory_space<vmem>>) semaphore(%dma_start3A_64 : memref<!tpu.dma_semaphore, #tpu.memory_space<semaphore_mem>>)
    %dma_start3A_65 = arith.constant 1 : i32
    %dma_start3A_66 = arith.constant 1 : i32
    %dma_start3A_67 = arith.constant 0 : i32
    %dma_start3A_68 = arith.constant 0 : i32
    %dma_start3A_69 = tpu.memref_slice %arg12[%dma_start3A_65, %dma_start3A_67, %dma_start3A_68] : memref<2x128x128xf32, #tpu.memory_space<vmem>> -> memref<1x128x128xf32, #tpu.memory_space<vmem>>
    %dma_start3A_70 = tpu.memref_squeeze %dma_start3A_69 : memref<1x128x128xf32, #tpu.memory_space<vmem>> -> memref<128x128xf32, #tpu.memory_space<vmem>>
    %dma_start3A_71 = arith.constant 128 : i32
    %dma_start3A_72 = tpu.memref_slice %arg9[%dma_start3A_71] : memref<512xi32, #tpu.memory_space<vmem>> -> memref<128xi32, #tpu.memory_space<vmem>>
    %dma_start3A_73 = arith.constant 0 : i32
    %dma_start3A_74 = arith.constant 0 : i32
    %dma_start3A_75 = tpu.memref_slice %arg6[%dma_start3A_73, %dma_start3A_74] : memref<100000x128xf32, #tpu.memory_space<hbm>> -> memref<100000x128xf32, #tpu.memory_space<hbm>>
    %dma_start3A_76 = tpu.memref_slice %arg15[%dma_start3A_66] : memref<2x!tpu.dma_semaphore, #tpu.memory_space<semaphore_mem>> -> memref<1x!tpu.dma_semaphore, #tpu.memory_space<semaphore_mem>>
    %dma_start3A_77 = tpu.memref_squeeze %dma_start3A_76 : memref<1x!tpu.dma_semaphore, #tpu.memory_space<semaphore_mem>> -> memref<!tpu.dma_semaphore, #tpu.memory_space<semaphore_mem>>
    tpu.enqueue_indirect_dma source(%dma_start3A_75 : memref<100000x128xf32, #tpu.memory_space<hbm>>) target(%dma_start3A_70 : memref<128x128xf32, #tpu.memory_space<vmem>>) offsets(%dma_start3A_72 : memref<128xi32, #tpu.memory_space<vmem>>) semaphore(%dma_start3A_77 : memref<!tpu.dma_semaphore, #tpu.memory_space<semaphore_mem>>)
    %dma_start3A_78 = arith.constant 1 : i32
    %dma_start3A_79 = arith.constant 1 : i32
    %dma_start3A_80 = arith.constant 0 : i32
    %dma_start3A_81 = arith.constant 0 : i32
    %dma_start3A_82 = tpu.memref_slice %arg13[%dma_start3A_78, %dma_start3A_80, %dma_start3A_81] : memref<2x128x128xf32, #tpu.memory_space<vmem>> -> memref<1x128x128xf32, #tpu.memory_space<vmem>>
    %dma_start3A_83 = tpu.memref_squeeze %dma_start3A_82 : memref<1x128x128xf32, #tpu.memory_space<vmem>> -> memref<128x128xf32, #tpu.memory_space<vmem>>
    %dma_start3A_84 = arith.constant 128 : i32
    %dma_start3A_85 = tpu.memref_slice %arg10[%dma_start3A_84] : memref<512xi32, #tpu.memory_space<vmem>> -> memref<128xi32, #tpu.memory_space<vmem>>
    %dma_start3A_86 = arith.constant 0 : i32
    %dma_start3A_87 = arith.constant 0 : i32
    %dma_start3A_88 = tpu.memref_slice %arg6[%dma_start3A_86, %dma_start3A_87] : memref<100000x128xf32, #tpu.memory_space<hbm>> -> memref<100000x128xf32, #tpu.memory_space<hbm>>
    %dma_start3A_89 = tpu.memref_slice %arg15[%dma_start3A_79] : memref<2x!tpu.dma_semaphore, #tpu.memory_space<semaphore_mem>> -> memref<1x!tpu.dma_semaphore, #tpu.memory_space<semaphore_mem>>
    %dma_start3A_90 = tpu.memref_squeeze %dma_start3A_89 : memref<1x!tpu.dma_semaphore, #tpu.memory_space<semaphore_mem>> -> memref<!tpu.dma_semaphore, #tpu.memory_space<semaphore_mem>>
    tpu.enqueue_indirect_dma source(%dma_start3A_88 : memref<100000x128xf32, #tpu.memory_space<hbm>>) target(%dma_start3A_83 : memref<128x128xf32, #tpu.memory_space<vmem>>) offsets(%dma_start3A_85 : memref<128xi32, #tpu.memory_space<vmem>>) semaphore(%dma_start3A_90 : memref<!tpu.dma_semaphore, #tpu.memory_space<semaphore_mem>>)
    %scan3A = arith.constant 0 : i32
    %scan3A_91 = arith.constant 4 : i32
    %scan3A_92 = arith.addi %scan3A, %scan3A_91 : i32
    %scan3A_93 = arith.constant 1 : i32
    scf.for %scan3A_99 = %scan3A to %scan3A_92 step %scan3A_93  : i32 {
      %mul3A_100 = arith.constant 1 : i32
      %mul3A_101 = arith.muli %scan3A_99, %mul3A_100 : i32
      %add3A_102 = arith.constant 0 : i32
      %add3A_103 = arith.addi %add3A_102, %mul3A_101 : i32
      %rem3A = arith.constant 2 : i32
      %rem3A_104 = arith.remsi %add3A_103, %rem3A : i32
      %dma_wait3A_105 = arith.constant 0 : i32
      %dma_wait3A_106 = arith.constant 0 : i32
      %dma_wait3A_107 = tpu.memref_slice %arg11[%rem3A_104, %dma_wait3A_105, %dma_wait3A_106] : memref<2x128x128xf32, #tpu.memory_space<vmem>> -> memref<1x128x128xf32, #tpu.memory_space<vmem>>
      %dma_wait3A_108 = tpu.memref_squeeze %dma_wait3A_107 : memref<1x128x128xf32, #tpu.memory_space<vmem>> -> memref<128x128xf32, #tpu.memory_space<vmem>>
      %dma_wait3A_109 = arith.constant 0 : i32
      %dma_wait3A_110 = tpu.memref_slice %arg8[%dma_wait3A_109] : memref<512xi32, #tpu.memory_space<vmem>> -> memref<128xi32, #tpu.memory_space<vmem>>
      %dma_wait3A_111 = arith.constant 0 : i32
      %dma_wait3A_112 = arith.constant 0 : i32
      %dma_wait3A_113 = tpu.memref_slice %arg5[%dma_wait3A_111, %dma_wait3A_112] : memref<100000x128xf32, #tpu.memory_space<hbm>> -> memref<100000x128xf32, #tpu.memory_space<hbm>>
      %dma_wait3A_114 = tpu.memref_slice %arg15[%rem3A_104] : memref<2x!tpu.dma_semaphore, #tpu.memory_space<semaphore_mem>> -> memref<1x!tpu.dma_semaphore, #tpu.memory_space<semaphore_mem>>
      %dma_wait3A_115 = tpu.memref_squeeze %dma_wait3A_114 : memref<1x!tpu.dma_semaphore, #tpu.memory_space<semaphore_mem>> -> memref<!tpu.dma_semaphore, #tpu.memory_space<semaphore_mem>>
      tpu.wait_indirect_dma semaphore(%dma_wait3A_115 : memref<!tpu.dma_semaphore, #tpu.memory_space<semaphore_mem>>) src(%dma_wait3A_113 : memref<100000x128xf32, #tpu.memory_space<hbm>>) dst(%dma_wait3A_108 : memref<128x128xf32, #tpu.memory_space<vmem>>)
      %dma_wait3A_116 = arith.constant 0 : i32
      %dma_wait3A_117 = arith.constant 0 : i32
      %dma_wait3A_118 = tpu.memref_slice %arg12[%rem3A_104, %dma_wait3A_116, %dma_wait3A_117] : memref<2x128x128xf32, #tpu.memory_space<vmem>> -> memref<1x128x128xf32, #tpu.memory_space<vmem>>
      %dma_wait3A_119 = tpu.memref_squeeze %dma_wait3A_118 : memref<1x128x128xf32, #tpu.memory_space<vmem>> -> memref<128x128xf32, #tpu.memory_space<vmem>>
      %dma_wait3A_120 = arith.constant 0 : i32
      %dma_wait3A_121 = tpu.memref_slice %arg9[%dma_wait3A_120] : memref<512xi32, #tpu.memory_space<vmem>> -> memref<128xi32, #tpu.memory_space<vmem>>
      %dma_wait3A_122 = arith.constant 0 : i32
      %dma_wait3A_123 = arith.constant 0 : i32
      %dma_wait3A_124 = tpu.memref_slice %arg6[%dma_wait3A_122, %dma_wait3A_123] : memref<100000x128xf32, #tpu.memory_space<hbm>> -> memref<100000x128xf32, #tpu.memory_space<hbm>>
      %dma_wait3A_125 = tpu.memref_slice %arg15[%rem3A_104] : memref<2x!tpu.dma_semaphore, #tpu.memory_space<semaphore_mem>> -> memref<1x!tpu.dma_semaphore, #tpu.memory_space<semaphore_mem>>
      %dma_wait3A_126 = tpu.memref_squeeze %dma_wait3A_125 : memref<1x!tpu.dma_semaphore, #tpu.memory_space<semaphore_mem>> -> memref<!tpu.dma_semaphore, #tpu.memory_space<semaphore_mem>>
      tpu.wait_indirect_dma semaphore(%dma_wait3A_126 : memref<!tpu.dma_semaphore, #tpu.memory_space<semaphore_mem>>) src(%dma_wait3A_124 : memref<100000x128xf32, #tpu.memory_space<hbm>>) dst(%dma_wait3A_119 : memref<128x128xf32, #tpu.memory_space<vmem>>)
      %dma_wait3A_127 = arith.constant 0 : i32
      %dma_wait3A_128 = arith.constant 0 : i32
      %dma_wait3A_129 = tpu.memref_slice %arg13[%rem3A_104, %dma_wait3A_127, %dma_wait3A_128] : memref<2x128x128xf32, #tpu.memory_space<vmem>> -> memref<1x128x128xf32, #tpu.memory_space<vmem>>
      %dma_wait3A_130 = tpu.memref_squeeze %dma_wait3A_129 : memref<1x128x128xf32, #tpu.memory_space<vmem>> -> memref<128x128xf32, #tpu.memory_space<vmem>>
      %dma_wait3A_131 = arith.constant 0 : i32
      %dma_wait3A_132 = tpu.memref_slice %arg10[%dma_wait3A_131] : memref<512xi32, #tpu.memory_space<vmem>> -> memref<128xi32, #tpu.memory_space<vmem>>
      %dma_wait3A_133 = arith.constant 0 : i32
      %dma_wait3A_134 = arith.constant 0 : i32
      %dma_wait3A_135 = tpu.memref_slice %arg6[%dma_wait3A_133, %dma_wait3A_134] : memref<100000x128xf32, #tpu.memory_space<hbm>> -> memref<100000x128xf32, #tpu.memory_space<hbm>>
      %dma_wait3A_136 = tpu.memref_slice %arg15[%rem3A_104] : memref<2x!tpu.dma_semaphore, #tpu.memory_space<semaphore_mem>> -> memref<1x!tpu.dma_semaphore, #tpu.memory_space<semaphore_mem>>
      %dma_wait3A_137 = tpu.memref_squeeze %dma_wait3A_136 : memref<1x!tpu.dma_semaphore, #tpu.memory_space<semaphore_mem>> -> memref<!tpu.dma_semaphore, #tpu.memory_space<semaphore_mem>>
      tpu.wait_indirect_dma semaphore(%dma_wait3A_137 : memref<!tpu.dma_semaphore, #tpu.memory_space<semaphore_mem>>) src(%dma_wait3A_135 : memref<100000x128xf32, #tpu.memory_space<hbm>>) dst(%dma_wait3A_130 : memref<128x128xf32, #tpu.memory_space<vmem>>)
      %parallel_loop3A = arith.constant 0 : i32
      %parallel_loop3A_138 = arith.constant 128 : i32
      %parallel_loop3A_139 = arith.constant 1 : i32
      scf.for %parallel_loop3A_144 = %parallel_loop3A to %parallel_loop3A_138 step %parallel_loop3A_139  : i32 {
        %parallel_loop3A_145 = arith.index_cast %rem3A_104 : i32 to index
        %parallel_loop3A_146 = arith.index_cast %parallel_loop3A_144 : i32 to index
        %parallel_loop3A_147 = arith.constant 0 : index
        %parallel_loop3A_148 = tpu.vector_load %arg11[%parallel_loop3A_145, %parallel_loop3A_146, %parallel_loop3A_147] {strides = array<i32>} : memref<2x128x128xf32, #tpu.memory_space<vmem>>, vector<16xf32>,
        %parallel_loop3A_149 = arith.index_cast %rem3A_104 : i32 to index
        %parallel_loop3A_150 = arith.index_cast %parallel_loop3A_144 : i32 to index
        %parallel_loop3A_151 = arith.constant 0 : index
        %parallel_loop3A_152 = tpu.vector_load %arg12[%parallel_loop3A_149, %parallel_loop3A_150, %parallel_loop3A_151] {strides = array<i32>} : memref<2x128x128xf32, #tpu.memory_space<vmem>>, vector<16xf32>,
        %parallel_loop3A_153 = arith.index_cast %rem3A_104 : i32 to index
        %parallel_loop3A_154 = arith.index_cast %parallel_loop3A_144 : i32 to index
        %parallel_loop3A_155 = arith.constant 0 : index
        %parallel_loop3A_156 = tpu.vector_load %arg13[%parallel_loop3A_153, %parallel_loop3A_154, %parallel_loop3A_155] {strides = array<i32>} : memref<2x128x128xf32, #tpu.memory_space<vmem>>, vector<16xf32>,
        %parallel_loop3A_157 = arith.subf %parallel_loop3A_152, %parallel_loop3A_156 : vector<16xf32>
        %parallel_loop3A_158 = arith.mulf %parallel_loop3A_148, %parallel_loop3A_157 : vector<16xf32>
        %parallel_loop3A_159 = arith.mulf %parallel_loop3A_148, %parallel_loop3A_148 : vector<16xf32>
        %parallel_loop3A_160 = arith.mulf %parallel_loop3A_152, %parallel_loop3A_152 : vector<16xf32>
        %parallel_loop3A_161 = arith.mulf %parallel_loop3A_156, %parallel_loop3A_156 : vector<16xf32>
        %parallel_loop3A_162 = arith.index_cast %rem3A_104 : i32 to index
        %parallel_loop3A_163 = arith.index_cast %parallel_loop3A_144 : i32 to index
        %parallel_loop3A_164 = arith.constant 16 : index
        %parallel_loop3A_165 = tpu.vector_load %arg11[%parallel_loop3A_162, %parallel_loop3A_163, %parallel_loop3A_164] {strides = array<i32>} : memref<2x128x128xf32, #tpu.memory_space<vmem>>, vector<16xf32>,
        %parallel_loop3A_166 = arith.index_cast %rem3A_104 : i32 to index
        %parallel_loop3A_167 = arith.index_cast %parallel_loop3A_144 : i32 to index
        %parallel_loop3A_168 = arith.constant 16 : index
        %parallel_loop3A_169 = tpu.vector_load %arg12[%parallel_loop3A_166, %parallel_loop3A_167, %parallel_loop3A_168] {strides = array<i32>} : memref<2x128x128xf32, #tpu.memory_space<vmem>>, vector<16xf32>,
        %parallel_loop3A_170 = arith.index_cast %rem3A_104 : i32 to index
        %parallel_loop3A_171 = arith.index_cast %parallel_loop3A_144 : i32 to index
        %parallel_loop3A_172 = arith.constant 16 : index
        %parallel_loop3A_173 = tpu.vector_load %arg13[%parallel_loop3A_170, %parallel_loop3A_171, %parallel_loop3A_172] {strides = array<i32>} : memref<2x128x128xf32, #tpu.memory_space<vmem>>, vector<16xf32>,
        %parallel_loop3A_174 = arith.subf %parallel_loop3A_169, %parallel_loop3A_173 : vector<16xf32>
        %parallel_loop3A_175 = arith.mulf %parallel_loop3A_165, %parallel_loop3A_174 : vector<16xf32>
        %parallel_loop3A_176 = arith.addf %parallel_loop3A_158, %parallel_loop3A_175 : vector<16xf32>
        %parallel_loop3A_177 = arith.mulf %parallel_loop3A_165, %parallel_loop3A_165 : vector<16xf32>
        %parallel_loop3A_178 = arith.addf %parallel_loop3A_159, %parallel_loop3A_177 : vector<16xf32>
        %parallel_loop3A_179 = arith.mulf %parallel_loop3A_169, %parallel_loop3A_169 : vector<16xf32>
        %parallel_loop3A_180 = arith.addf %parallel_loop3A_160, %parallel_loop3A_179 : vector<16xf32>
        %parallel_loop3A_181 = arith.mulf %parallel_loop3A_173, %parallel_loop3A_173 : vector<16xf32>
        %parallel_loop3A_182 = arith.addf %parallel_loop3A_161, %parallel_loop3A_181 : vector<16xf32>
        %parallel_loop3A_183 = arith.index_cast %rem3A_104 : i32 to index
        %parallel_loop3A_184 = arith.index_cast %parallel_loop3A_144 : i32 to index
        %parallel_loop3A_185 = arith.constant 32 : index
        %parallel_loop3A_186 = tpu.vector_load %arg11[%parallel_loop3A_183, %parallel_loop3A_184, %parallel_loop3A_185] {strides = array<i32>} : memref<2x128x128xf32, #tpu.memory_space<vmem>>, vector<16xf32>,
        %parallel_loop3A_187 = arith.index_cast %rem3A_104 : i32 to index
        %parallel_loop3A_188 = arith.index_cast %parallel_loop3A_144 : i32 to index
        %parallel_loop3A_189 = arith.constant 32 : index
        %parallel_loop3A_190 = tpu.vector_load %arg12[%parallel_loop3A_187, %parallel_loop3A_188, %parallel_loop3A_189] {strides = array<i32>} : memref<2x128x128xf32, #tpu.memory_space<vmem>>, vector<16xf32>,
        %parallel_loop3A_191 = arith.index_cast %rem3A_104 : i32 to index
        %parallel_loop3A_192 = arith.index_cast %parallel_loop3A_144 : i32 to index
        %parallel_loop3A_193 = arith.constant 32 : index
        %parallel_loop3A_194 = tpu.vector_load %arg13[%parallel_loop3A_191, %parallel_loop3A_192, %parallel_loop3A_193] {strides = array<i32>} : memref<2x128x128xf32, #tpu.memory_space<vmem>>, vector<16xf32>,
        %parallel_loop3A_195 = arith.subf %parallel_loop3A_190, %parallel_loop3A_194 : vector<16xf32>
        %parallel_loop3A_196 = arith.mulf %parallel_loop3A_186, %parallel_loop3A_195 : vector<16xf32>
        %parallel_loop3A_197 = arith.addf %parallel_loop3A_176, %parallel_loop3A_196 : vector<16xf32>
        %parallel_loop3A_198 = arith.mulf %parallel_loop3A_186, %parallel_loop3A_186 : vector<16xf32>
        %parallel_loop3A_199 = arith.addf %parallel_loop3A_178, %parallel_loop3A_198 : vector<16xf32>
        %parallel_loop3A_200 = arith.mulf %parallel_loop3A_190, %parallel_loop3A_190 : vector<16xf32>
        %parallel_loop3A_201 = arith.addf %parallel_loop3A_180, %parallel_loop3A_200 : vector<16xf32>
        %parallel_loop3A_202 = arith.mulf %parallel_loop3A_194, %parallel_loop3A_194 : vector<16xf32>
        %parallel_loop3A_203 = arith.addf %parallel_loop3A_182, %parallel_loop3A_202 : vector<16xf32>
        %parallel_loop3A_204 = arith.index_cast %rem3A_104 : i32 to index
        %parallel_loop3A_205 = arith.index_cast %parallel_loop3A_144 : i32 to index
        %parallel_loop3A_206 = arith.constant 48 : index
        %parallel_loop3A_207 = tpu.vector_load %arg11[%parallel_loop3A_204, %parallel_loop3A_205, %parallel_loop3A_206] {strides = array<i32>} : memref<2x128x128xf32, #tpu.memory_space<vmem>>, vector<16xf32>,
        %parallel_loop3A_208 = arith.index_cast %rem3A_104 : i32 to index
        %parallel_loop3A_209 = arith.index_cast %parallel_loop3A_144 : i32 to index
        %parallel_loop3A_210 = arith.constant 48 : index
        %parallel_loop3A_211 = tpu.vector_load %arg12[%parallel_loop3A_208, %parallel_loop3A_209, %parallel_loop3A_210] {strides = array<i32>} : memref<2x128x128xf32, #tpu.memory_space<vmem>>, vector<16xf32>,
        %parallel_loop3A_212 = arith.index_cast %rem3A_104 : i32 to index
        %parallel_loop3A_213 = arith.index_cast %parallel_loop3A_144 : i32 to index
        %parallel_loop3A_214 = arith.constant 48 : index
        %parallel_loop3A_215 = tpu.vector_load %arg13[%parallel_loop3A_212, %parallel_loop3A_213, %parallel_loop3A_214] {strides = array<i32>} : memref<2x128x128xf32, #tpu.memory_space<vmem>>, vector<16xf32>,
        %parallel_loop3A_216 = arith.subf %parallel_loop3A_211, %parallel_loop3A_215 : vector<16xf32>
        %parallel_loop3A_217 = arith.mulf %parallel_loop3A_207, %parallel_loop3A_216 : vector<16xf32>
        %parallel_loop3A_218 = arith.addf %parallel_loop3A_197, %parallel_loop3A_217 : vector<16xf32>
        %parallel_loop3A_219 = arith.mulf %parallel_loop3A_207, %parallel_loop3A_207 : vector<16xf32>
        %parallel_loop3A_220 = arith.addf %parallel_loop3A_199, %parallel_loop3A_219 : vector<16xf32>
        %parallel_loop3A_221 = arith.mulf %parallel_loop3A_211, %parallel_loop3A_211 : vector<16xf32>
        %parallel_loop3A_222 = arith.addf %parallel_loop3A_201, %parallel_loop3A_221 : vector<16xf32>
        %parallel_loop3A_223 = arith.mulf %parallel_loop3A_215, %parallel_loop3A_215 : vector<16xf32>
        %parallel_loop3A_224 = arith.addf %parallel_loop3A_203, %parallel_loop3A_223 : vector<16xf32>
        %parallel_loop3A_225 = arith.index_cast %rem3A_104 : i32 to index
        %parallel_loop3A_226 = arith.index_cast %parallel_loop3A_144 : i32 to index
        %parallel_loop3A_227 = arith.constant 64 : index
        %parallel_loop3A_228 = tpu.vector_load %arg11[%parallel_loop3A_225, %parallel_loop3A_226, %parallel_loop3A_227] {strides = array<i32>} : memref<2x128x128xf32, #tpu.memory_space<vmem>>, vector<16xf32>,
        %parallel_loop3A_229 = arith.index_cast %rem3A_104 : i32 to index
        %parallel_loop3A_230 = arith.index_cast %parallel_loop3A_144 : i32 to index
        %parallel_loop3A_231 = arith.constant 64 : index
        %parallel_loop3A_232 = tpu.vector_load %arg12[%parallel_loop3A_229, %parallel_loop3A_230, %parallel_loop3A_231] {strides = array<i32>} : memref<2x128x128xf32, #tpu.memory_space<vmem>>, vector<16xf32>,
        %parallel_loop3A_233 = arith.index_cast %rem3A_104 : i32 to index
        %parallel_loop3A_234 = arith.index_cast %parallel_loop3A_144 : i32 to index
        %parallel_loop3A_235 = arith.constant 64 : index
        %parallel_loop3A_236 = tpu.vector_load %arg13[%parallel_loop3A_233, %parallel_loop3A_234, %parallel_loop3A_235] {strides = array<i32>} : memref<2x128x128xf32, #tpu.memory_space<vmem>>, vector<16xf32>,
        %parallel_loop3A_237 = arith.subf %parallel_loop3A_232, %parallel_loop3A_236 : vector<16xf32>
        %parallel_loop3A_238 = arith.mulf %parallel_loop3A_228, %parallel_loop3A_237 : vector<16xf32>
        %parallel_loop3A_239 = arith.addf %parallel_loop3A_218, %parallel_loop3A_238 : vector<16xf32>
        %parallel_loop3A_240 = arith.mulf %parallel_loop3A_228, %parallel_loop3A_228 : vector<16xf32>
        %parallel_loop3A_241 = arith.addf %parallel_loop3A_220, %parallel_loop3A_240 : vector<16xf32>
        %parallel_loop3A_242 = arith.mulf %parallel_loop3A_232, %parallel_loop3A_232 : vector<16xf32>
        %parallel_loop3A_243 = arith.addf %parallel_loop3A_222, %parallel_loop3A_242 : vector<16xf32>
        %parallel_loop3A_244 = arith.mulf %parallel_loop3A_236, %parallel_loop3A_236 : vector<16xf32>
        %parallel_loop3A_245 = arith.addf %parallel_loop3A_224, %parallel_loop3A_244 : vector<16xf32>
        %parallel_loop3A_246 = arith.index_cast %rem3A_104 : i32 to index
        %parallel_loop3A_247 = arith.index_cast %parallel_loop3A_144 : i32 to index
        %parallel_loop3A_248 = arith.constant 80 : index
        %parallel_loop3A_249 = tpu.vector_load %arg11[%parallel_loop3A_246, %parallel_loop3A_247, %parallel_loop3A_248] {strides = array<i32>} : memref<2x128x128xf32, #tpu.memory_space<vmem>>, vector<16xf32>,
        %parallel_loop3A_250 = arith.index_cast %rem3A_104 : i32 to index
        %parallel_loop3A_251 = arith.index_cast %parallel_loop3A_144 : i32 to index
        %parallel_loop3A_252 = arith.constant 80 : index
        %parallel_loop3A_253 = tpu.vector_load %arg12[%parallel_loop3A_250, %parallel_loop3A_251, %parallel_loop3A_252] {strides = array<i32>} : memref<2x128x128xf32, #tpu.memory_space<vmem>>, vector<16xf32>,
        %parallel_loop3A_254 = arith.index_cast %rem3A_104 : i32 to index
        %parallel_loop3A_255 = arith.index_cast %parallel_loop3A_144 : i32 to index
        %parallel_loop3A_256 = arith.constant 80 : index
        %parallel_loop3A_257 = tpu.vector_load %arg13[%parallel_loop3A_254, %parallel_loop3A_255, %parallel_loop3A_256] {strides = array<i32>} : memref<2x128x128xf32, #tpu.memory_space<vmem>>, vector<16xf32>,
        %parallel_loop3A_258 = arith.subf %parallel_loop3A_253, %parallel_loop3A_257 : vector<16xf32>
        %parallel_loop3A_259 = arith.mulf %parallel_loop3A_249, %parallel_loop3A_258 : vector<16xf32>
        %parallel_loop3A_260 = arith.addf %parallel_loop3A_239, %parallel_loop3A_259 : vector<16xf32>
        %parallel_loop3A_261 = arith.mulf %parallel_loop3A_249, %parallel_loop3A_249 : vector<16xf32>
        %parallel_loop3A_262 = arith.addf %parallel_loop3A_241, %parallel_loop3A_261 : vector<16xf32>
        %parallel_loop3A_263 = arith.mulf %parallel_loop3A_253, %parallel_loop3A_253 : vector<16xf32>
        %parallel_loop3A_264 = arith.addf %parallel_loop3A_243, %parallel_loop3A_263 : vector<16xf32>
        %parallel_loop3A_265 = arith.mulf %parallel_loop3A_257, %parallel_loop3A_257 : vector<16xf32>
        %parallel_loop3A_266 = arith.addf %parallel_loop3A_245, %parallel_loop3A_265 : vector<16xf32>
        %parallel_loop3A_267 = arith.index_cast %rem3A_104 : i32 to index
        %parallel_loop3A_268 = arith.index_cast %parallel_loop3A_144 : i32 to index
        %parallel_loop3A_269 = arith.constant 96 : index
        %parallel_loop3A_270 = tpu.vector_load %arg11[%parallel_loop3A_267, %parallel_loop3A_268, %parallel_loop3A_269] {strides = array<i32>} : memref<2x128x128xf32, #tpu.memory_space<vmem>>, vector<16xf32>,
        %parallel_loop3A_271 = arith.index_cast %rem3A_104 : i32 to index
        %parallel_loop3A_272 = arith.index_cast %parallel_loop3A_144 : i32 to index
        %parallel_loop3A_273 = arith.constant 96 : index
        %parallel_loop3A_274 = tpu.vector_load %arg12[%parallel_loop3A_271, %parallel_loop3A_272, %parallel_loop3A_273] {strides = array<i32>} : memref<2x128x128xf32, #tpu.memory_space<vmem>>, vector<16xf32>,
        %parallel_loop3A_275 = arith.index_cast %rem3A_104 : i32 to index
        %parallel_loop3A_276 = arith.index_cast %parallel_loop3A_144 : i32 to index
        %parallel_loop3A_277 = arith.constant 96 : index
        %parallel_loop3A_278 = tpu.vector_load %arg13[%parallel_loop3A_275, %parallel_loop3A_276, %parallel_loop3A_277] {strides = array<i32>} : memref<2x128x128xf32, #tpu.memory_space<vmem>>, vector<16xf32>,
        %parallel_loop3A_279 = arith.subf %parallel_loop3A_274, %parallel_loop3A_278 : vector<16xf32>
        %parallel_loop3A_280 = arith.mulf %parallel_loop3A_270, %parallel_loop3A_279 : vector<16xf32>
        %parallel_loop3A_281 = arith.addf %parallel_loop3A_260, %parallel_loop3A_280 : vector<16xf32>
        %parallel_loop3A_282 = arith.mulf %parallel_loop3A_270, %parallel_loop3A_270 : vector<16xf32>
        %parallel_loop3A_283 = arith.addf %parallel_loop3A_262, %parallel_loop3A_282 : vector<16xf32>
        %parallel_loop3A_284 = arith.mulf %parallel_loop3A_274, %parallel_loop3A_274 : vector<16xf32>
        %parallel_loop3A_285 = arith.addf %parallel_loop3A_264, %parallel_loop3A_284 : vector<16xf32>
        %parallel_loop3A_286 = arith.mulf %parallel_loop3A_278, %parallel_loop3A_278 : vector<16xf32>
        %parallel_loop3A_287 = arith.addf %parallel_loop3A_266, %parallel_loop3A_286 : vector<16xf32>
        %parallel_loop3A_288 = arith.index_cast %rem3A_104 : i32 to index
        %parallel_loop3A_289 = arith.index_cast %parallel_loop3A_144 : i32 to index
        %parallel_loop3A_290 = arith.constant 112 : index
        %parallel_loop3A_291 = tpu.vector_load %arg11[%parallel_loop3A_288, %parallel_loop3A_289, %parallel_loop3A_290] {strides = array<i32>} : memref<2x128x128xf32, #tpu.memory_space<vmem>>, vector<16xf32>,
        %parallel_loop3A_292 = arith.index_cast %rem3A_104 : i32 to index
        %parallel_loop3A_293 = arith.index_cast %parallel_loop3A_144 : i32 to index
        %parallel_loop3A_294 = arith.constant 112 : index
        %parallel_loop3A_295 = tpu.vector_load %arg12[%parallel_loop3A_292, %parallel_loop3A_293, %parallel_loop3A_294] {strides = array<i32>} : memref<2x128x128xf32, #tpu.memory_space<vmem>>, vector<16xf32>,
        %parallel_loop3A_296 = arith.index_cast %rem3A_104 : i32 to index
        %parallel_loop3A_297 = arith.index_cast %parallel_loop3A_144 : i32 to index
        %parallel_loop3A_298 = arith.constant 112 : index
        %parallel_loop3A_299 = tpu.vector_load %arg13[%parallel_loop3A_296, %parallel_loop3A_297, %parallel_loop3A_298] {strides = array<i32>} : memref<2x128x128xf32, #tpu.memory_space<vmem>>, vector<16xf32>,
        %parallel_loop3A_300 = arith.subf %parallel_loop3A_295, %parallel_loop3A_299 : vector<16xf32>
        %parallel_loop3A_301 = arith.mulf %parallel_loop3A_291, %parallel_loop3A_300 : vector<16xf32>
        %parallel_loop3A_302 = arith.addf %parallel_loop3A_281, %parallel_loop3A_301 : vector<16xf32>
        %parallel_loop3A_303 = arith.mulf %parallel_loop3A_291, %parallel_loop3A_291 : vector<16xf32>
        %parallel_loop3A_304 = arith.addf %parallel_loop3A_283, %parallel_loop3A_303 : vector<16xf32>
        %parallel_loop3A_305 = arith.mulf %parallel_loop3A_295, %parallel_loop3A_295 : vector<16xf32>
        %parallel_loop3A_306 = arith.addf %parallel_loop3A_285, %parallel_loop3A_305 : vector<16xf32>
        %parallel_loop3A_307 = arith.mulf %parallel_loop3A_299, %parallel_loop3A_299 : vector<16xf32>
        %parallel_loop3A_308 = arith.addf %parallel_loop3A_287, %parallel_loop3A_307 : vector<16xf32>
        %parallel_loop3A_309 = arith.constant 128 : i32
        %parallel_loop3A_310 = arith.muli %add3A_103, %parallel_loop3A_309 : i32
        %parallel_loop3A_311 = arith.addi %parallel_loop3A_310, %parallel_loop3A_144 : i32
        %parallel_loop3A_312 = arith.constant 2 : i32
        %parallel_loop3A_313 = arith.muli %parallel_loop3A_311, %parallel_loop3A_312 : i32
        %parallel_loop3A_314 = arith.constant 16 : i32
        %parallel_loop3A_315 = arith.muli %parallel_loop3A_313, %parallel_loop3A_314 : i32
        %parallel_loop3A_316 = arith.index_cast %parallel_loop3A_315 : i32 to index
        %parallel_loop3A_317 = tpu.vector_load %arg14[%parallel_loop3A_316] {strides = array<i32>} : memref<16384xf32, #tpu.memory_space<vmem>>, vector<16xf32>,
        tpu.vector_store %arg14[%parallel_loop3A_316], %parallel_loop3A_302 {strides = array<i32>} : memref<16384xf32, #tpu.memory_space<vmem>>, vector<16xf32>,
        %parallel_loop3A_318 = arith.addf %parallel_loop3A_304, %parallel_loop3A_306 : vector<16xf32>
        %parallel_loop3A_319 = arith.addf %parallel_loop3A_318, %parallel_loop3A_308 : vector<16xf32>
        %parallel_loop3A_320 = arith.constant 2 : i32
        %parallel_loop3A_321 = arith.muli %parallel_loop3A_311, %parallel_loop3A_320 : i32
        %parallel_loop3A_322 = arith.constant 16 : i32
        %parallel_loop3A_323 = arith.muli %parallel_loop3A_321, %parallel_loop3A_322 : i32
        %parallel_loop3A_324 = arith.constant 16 : i32
        %parallel_loop3A_325 = arith.addi %parallel_loop3A_323, %parallel_loop3A_324 : i32
        %parallel_loop3A_326 = arith.index_cast %parallel_loop3A_325 : i32 to index
        %parallel_loop3A_327 = tpu.vector_load %arg14[%parallel_loop3A_326] {strides = array<i32>} : memref<16384xf32, #tpu.memory_space<vmem>>, vector<16xf32>,
        tpu.vector_store %arg14[%parallel_loop3A_326], %parallel_loop3A_319 {strides = array<i32>} : memref<16384xf32, #tpu.memory_space<vmem>>, vector<16xf32>,
      } {sc.loop_unroll_factor = 1 : i64, sc.parallel_access}
      %add3A_140 = arith.constant 2 : i32
      %add3A_141 = arith.addi %add3A_103, %add3A_140 : i32
      %lt3A = arith.constant 4 : i32
      %lt3A_142 = arith.cmpi slt, %add3A_141, %lt3A : i32
      %convert_element_type3A = arith.extui %lt3A_142 : i1 to i32
      %cond3A = arith.constant 0 : i32
      %cond3A_143 = arith.cmpi ne, %convert_element_type3A, %cond3A : i32
      scf.if %cond3A_143 {
        %add3A_144 = arith.constant 2 : i32
        %add3A_145 = arith.addi %add3A_103, %add3A_144 : i32
        %mul3A_146 = arith.constant 128 : i32
        %mul3A_147 = arith.muli %add3A_145, %mul3A_146 : i32
        %dma_start3A_148 = arith.constant 0 : i32
        %dma_start3A_149 = arith.constant 0 : i32
        %dma_start3A_150 = tpu.memref_slice %arg11[%rem3A_104, %dma_start3A_148, %dma_start3A_149] : memref<2x128x128xf32, #tpu.memory_space<vmem>> -> memref<1x128x128xf32, #tpu.memory_space<vmem>>
        %dma_start3A_151 = tpu.memref_squeeze %dma_start3A_150 : memref<1x128x128xf32, #tpu.memory_space<vmem>> -> memref<128x128xf32, #tpu.memory_space<vmem>>
        %dma_start3A_152 = tpu.memref_slice %arg8[%mul3A_147] : memref<512xi32, #tpu.memory_space<vmem>> -> memref<128xi32, #tpu.memory_space<vmem>>
        %dma_start3A_153 = arith.constant 0 : i32
        %dma_start3A_154 = arith.constant 0 : i32
        %dma_start3A_155 = tpu.memref_slice %arg5[%dma_start3A_153, %dma_start3A_154] : memref<100000x128xf32, #tpu.memory_space<hbm>> -> memref<100000x128xf32, #tpu.memory_space<hbm>>
        %dma_start3A_156 = tpu.memref_slice %arg15[%rem3A_104] : memref<2x!tpu.dma_semaphore, #tpu.memory_space<semaphore_mem>> -> memref<1x!tpu.dma_semaphore, #tpu.memory_space<semaphore_mem>>
        %dma_start3A_157 = tpu.memref_squeeze %dma_start3A_156 : memref<1x!tpu.dma_semaphore, #tpu.memory_space<semaphore_mem>> -> memref<!tpu.dma_semaphore, #tpu.memory_space<semaphore_mem>>
        tpu.enqueue_indirect_dma source(%dma_start3A_155 : memref<100000x128xf32, #tpu.memory_space<hbm>>) target(%dma_start3A_151 : memref<128x128xf32, #tpu.memory_space<vmem>>) offsets(%dma_start3A_152 : memref<128xi32, #tpu.memory_space<vmem>>) semaphore(%dma_start3A_157 : memref<!tpu.dma_semaphore, #tpu.memory_space<semaphore_mem>>)
        %dma_start3A_158 = arith.constant 0 : i32
        %dma_start3A_159 = arith.constant 0 : i32
        %dma_start3A_160 = tpu.memref_slice %arg12[%rem3A_104, %dma_start3A_158, %dma_start3A_159] : memref<2x128x128xf32, #tpu.memory_space<vmem>> -> memref<1x128x128xf32, #tpu.memory_space<vmem>>
        %dma_start3A_161 = tpu.memref_squeeze %dma_start3A_160 : memref<1x128x128xf32, #tpu.memory_space<vmem>> -> memref<128x128xf32, #tpu.memory_space<vmem>>
        %dma_start3A_162 = tpu.memref_slice %arg9[%mul3A_147] : memref<512xi32, #tpu.memory_space<vmem>> -> memref<128xi32, #tpu.memory_space<vmem>>
        %dma_start3A_163 = arith.constant 0 : i32
        %dma_start3A_164 = arith.constant 0 : i32
        %dma_start3A_165 = tpu.memref_slice %arg6[%dma_start3A_163, %dma_start3A_164] : memref<100000x128xf32, #tpu.memory_space<hbm>> -> memref<100000x128xf32, #tpu.memory_space<hbm>>
        %dma_start3A_166 = tpu.memref_slice %arg15[%rem3A_104] : memref<2x!tpu.dma_semaphore, #tpu.memory_space<semaphore_mem>> -> memref<1x!tpu.dma_semaphore, #tpu.memory_space<semaphore_mem>>
        %dma_start3A_167 = tpu.memref_squeeze %dma_start3A_166 : memref<1x!tpu.dma_semaphore, #tpu.memory_space<semaphore_mem>> -> memref<!tpu.dma_semaphore, #tpu.memory_space<semaphore_mem>>
        tpu.enqueue_indirect_dma source(%dma_start3A_165 : memref<100000x128xf32, #tpu.memory_space<hbm>>) target(%dma_start3A_161 : memref<128x128xf32, #tpu.memory_space<vmem>>) offsets(%dma_start3A_162 : memref<128xi32, #tpu.memory_space<vmem>>) semaphore(%dma_start3A_167 : memref<!tpu.dma_semaphore, #tpu.memory_space<semaphore_mem>>)
        %dma_start3A_168 = arith.constant 0 : i32
        %dma_start3A_169 = arith.constant 0 : i32
        %dma_start3A_170 = tpu.memref_slice %arg13[%rem3A_104, %dma_start3A_168, %dma_start3A_169] : memref<2x128x128xf32, #tpu.memory_space<vmem>> -> memref<1x128x128xf32, #tpu.memory_space<vmem>>
        %dma_start3A_171 = tpu.memref_squeeze %dma_start3A_170 : memref<1x128x128xf32, #tpu.memory_space<vmem>> -> memref<128x128xf32, #tpu.memory_space<vmem>>
        %dma_start3A_172 = tpu.memref_slice %arg10[%mul3A_147] : memref<512xi32, #tpu.memory_space<vmem>> -> memref<128xi32, #tpu.memory_space<vmem>>
        %dma_start3A_173 = arith.constant 0 : i32
        %dma_start3A_174 = arith.constant 0 : i32
        %dma_start3A_175 = tpu.memref_slice %arg6[%dma_start3A_173, %dma_start3A_174] : memref<100000x128xf32, #tpu.memory_space<hbm>> -> memref<100000x128xf32, #tpu.memory_space<hbm>>
        %dma_start3A_176 = tpu.memref_slice %arg15[%rem3A_104] : memref<2x!tpu.dma_semaphore, #tpu.memory_space<semaphore_mem>> -> memref<1x!tpu.dma_semaphore, #tpu.memory_space<semaphore_mem>>
        %dma_start3A_177 = tpu.memref_squeeze %dma_start3A_176 : memref<1x!tpu.dma_semaphore, #tpu.memory_space<semaphore_mem>> -> memref<!tpu.dma_semaphore, #tpu.memory_space<semaphore_mem>>
        tpu.enqueue_indirect_dma source(%dma_start3A_175 : memref<100000x128xf32, #tpu.memory_space<hbm>>) target(%dma_start3A_171 : memref<128x128xf32, #tpu.memory_space<vmem>>) offsets(%dma_start3A_172 : memref<128xi32, #tpu.memory_space<vmem>>) semaphore(%dma_start3A_177 : memref<!tpu.dma_semaphore, #tpu.memory_space<semaphore_mem>>)
      } else {
      }
    }
    %scan3A_94 = arith.constant 4 : i32
    %mul3A_95 = arith.constant 2 : i32
    %mul3A_96 = arith.muli %mul3A_2, %mul3A_95 : i32
    %mul3A_97 = arith.constant 16 : i32
    %mul3A_98 = arith.muli %mul3A_96, %mul3A_97 : i32
    "tpu.region"() ({
      %run_scoped3A = tpu.sem_alloc : memref<!tpu.dma_semaphore, #tpu.memory_space<semaphore_mem>>
      %dma_start3A_99 = tpu.memref_slice %arg7[%mul3A_98] : memref<524288xf32, #tpu.memory_space<hbm>> -> memref<16384xf32, #tpu.memory_space<hbm>>
      %dma_start3A_100 = tpu.memref_slice %arg7[%mul3A_98] : memref<524288xf32, #tpu.memory_space<hbm>> -> memref<16384xf32, #tpu.memory_space<hbm>>
      tpu.enqueue_dma source(%arg14 : memref<16384xf32, #tpu.memory_space<vmem>>) target(%dma_start3A_100 : memref<16384xf32, #tpu.memory_space<hbm>>) target_semaphore(%run_scoped3A : memref<!tpu.dma_semaphore, #tpu.memory_space<semaphore_mem>>)
      %dma_wait3A_101 = tpu.memref_slice %arg7[%mul3A_98] : memref<524288xf32, #tpu.memory_space<hbm>> -> memref<16384xf32, #tpu.memory_space<hbm>>
      %dma_wait3A_102 = tpu.memref_slice %arg7[%mul3A_98] : memref<524288xf32, #tpu.memory_space<hbm>> -> memref<16384xf32, #tpu.memory_space<hbm>>
      tpu.wait_dma2 semaphore(%run_scoped3A : memref<!tpu.dma_semaphore, #tpu.memory_space<semaphore_mem>>) src(%arg14 : memref<16384xf32, #tpu.memory_space<vmem>>) dst(%dma_wait3A_102 : memref<16384xf32, #tpu.memory_space<hbm>>)
      tpu.yield
    }) : () -> ()
    return
  }
}

module attributes {stable_mosaic.version = 14 : i64} {
  func.func @body(%arg0: memref<4096x128xf32, #tpu.memory_space<vmem>>, %arg1: memref<1x1xf32, #tpu.memory_space<smem>>) attributes {dimension_semantics = [], scalar_prefetch = 0 : i64, scratch_operands = 0 : i64, tpu.core_type = #tpu.core_type<tc>} {
    %get3A = arith.constant 0 : index
    %get3A_0 = arith.constant 0 : index
    %get3A_1 = vector.load %arg0[%get3A, %get3A_0] : memref<4096x128xf32, #tpu.memory_space<vmem>>, vector<4096x128xf32>
    %iota3A = tpu.iota {dimensions = array<i32: 0>} : vector<128x8xi32>
    %iota3A_2 = tpu.iota {dimensions = array<i32: 1>} : vector<128x8xi32>
    %jit3A = arith.constant 32 : i32
    %div3A = vector.broadcast %jit3A : i32 to vector<128x8xi32>
    %div3A_3 = arith.divsi %iota3A, %div3A : vector<128x8xi32>
    %sign3A = arith.constant 0 : i32
    %sign3A_4 = vector.broadcast %sign3A : i32 to vector<128x8xi32>
    %sign3A_5 = arith.cmpi sgt, %iota3A, %sign3A_4 : vector<128x8xi32>
    %sign3A_6 = arith.extui %sign3A_5 : vector<128x8xi1> to vector<128x8xi32>
    %sign3A_7 = arith.constant 0 : i32
    %sign3A_8 = vector.broadcast %sign3A_7 : i32 to vector<128x8xi32>
    %sign3A_9 = arith.cmpi slt, %iota3A, %sign3A_8 : vector<128x8xi32>
    %sign3A_10 = arith.extui %sign3A_9 : vector<128x8xi1> to vector<128x8xi32>
    %sign3A_11 = arith.subi %sign3A_6, %sign3A_10 : vector<128x8xi32>
    %sign3A_12 = arith.constant 0 : i32
    %sign3A_13 = arith.cmpi sgt, %jit3A, %sign3A_12 : i32
    %sign3A_14 = arith.extui %sign3A_13 : i1 to i32
    %sign3A_15 = arith.constant 0 : i32
    %sign3A_16 = arith.cmpi slt, %jit3A, %sign3A_15 : i32
    %sign3A_17 = arith.extui %sign3A_16 : i1 to i32
    %sign3A_18 = arith.subi %sign3A_14, %sign3A_17 : i32
    %ne3A = vector.broadcast %sign3A_18 : i32 to vector<128x8xi32>
    %ne3A_19 = arith.cmpi ne, %sign3A_11, %ne3A : vector<128x8xi32>
    %rem3A = vector.broadcast %jit3A : i32 to vector<128x8xi32>
    %rem3A_20 = arith.remsi %iota3A, %rem3A : vector<128x8xi32>
    %ne3A_21 = arith.constant 0 : i32
    %ne3A_22 = vector.broadcast %ne3A_21 : i32 to vector<128x8xi32>
    %ne3A_23 = arith.cmpi ne, %rem3A_20, %ne3A_22 : vector<128x8xi32>
    %and3A = arith.andi %ne3A_19, %ne3A_23 : vector<128x8xi1>
    %sub3A = arith.constant 1 : i32
    %sub3A_24 = vector.broadcast %sub3A : i32 to vector<128x8xi32>
    %sub3A_25 = arith.subi %div3A_3, %sub3A_24 : vector<128x8xi32>
    %select_n3A = arith.select %and3A, %sub3A_25, %div3A_3 : vector<128x8xi1>, vector<128x8xi32>
    %jit3A_26 = arith.constant 4 : i32
    %eq3A = arith.constant 0 : i32
    %eq3A_27 = arith.cmpi eq, %jit3A_26, %eq3A : i32
    %jit3A_28 = arith.constant 1 : i32
    %select_n3A_29 = arith.select %eq3A_27, %jit3A_28, %jit3A_26 : i32
    %rem3A_30 = vector.broadcast %select_n3A_29 : i32 to vector<128x8xi32>
    %rem3A_31 = arith.remsi %iota3A_2, %rem3A_30 : vector<128x8xi32>
    %ne3A_32 = arith.constant 0 : i32
    %ne3A_33 = vector.broadcast %ne3A_32 : i32 to vector<128x8xi32>
    %ne3A_34 = arith.cmpi ne, %rem3A_31, %ne3A_33 : vector<128x8xi32>
    %lt3A = arith.constant 0 : i32
    %lt3A_35 = vector.broadcast %lt3A : i32 to vector<128x8xi32>
    %lt3A_36 = arith.cmpi slt, %rem3A_31, %lt3A_35 : vector<128x8xi32>
    %lt3A_37 = arith.constant 0 : i32
    %lt3A_38 = arith.cmpi slt, %select_n3A_29, %lt3A_37 : i32
    %ne3A_39 = vector.broadcast %lt3A_38 : i1 to vector<128x8xi1>
    %ne3A_40 = vector.broadcast %ne3A_39 : vector<128x8xi1> to vector<128x8xi1>
    %ne3A_41 = arith.xori %lt3A_36, %ne3A_40 : vector<128x8xi1>
    %and3A_42 = arith.andi %ne3A_41, %ne3A_34 : vector<128x8xi1>
    %add3A = vector.broadcast %select_n3A_29 : i32 to vector<128x8xi32>
    %add3A_43 = arith.addi %rem3A_31, %add3A : vector<128x8xi32>
    %select_n3A_44 = arith.select %and3A_42, %add3A_43, %rem3A_31 : vector<128x8xi1>, vector<128x8xi32>
    %eq3A_45 = arith.cmpi eq, %select_n3A, %select_n3A_44 : vector<128x8xi32>
    %jit3A_46 = arith.constant 32 : i32
    %eq3A_47 = arith.constant 0 : i32
    %eq3A_48 = arith.cmpi eq, %jit3A_46, %eq3A_47 : i32
    %jit3A_49 = arith.constant 1 : i32
    %select_n3A_50 = arith.select %eq3A_48, %jit3A_49, %jit3A_46 : i32
    %rem3A_51 = vector.broadcast %select_n3A_50 : i32 to vector<128x8xi32>
    %rem3A_52 = arith.remsi %iota3A, %rem3A_51 : vector<128x8xi32>
    %ne3A_53 = arith.constant 0 : i32
    %ne3A_54 = vector.broadcast %ne3A_53 : i32 to vector<128x8xi32>
    %ne3A_55 = arith.cmpi ne, %rem3A_52, %ne3A_54 : vector<128x8xi32>
    %lt3A_56 = arith.constant 0 : i32
    %lt3A_57 = vector.broadcast %lt3A_56 : i32 to vector<128x8xi32>
    %lt3A_58 = arith.cmpi slt, %rem3A_52, %lt3A_57 : vector<128x8xi32>
    %lt3A_59 = arith.constant 0 : i32
    %lt3A_60 = arith.cmpi slt, %select_n3A_50, %lt3A_59 : i32
    %ne3A_61 = vector.broadcast %lt3A_60 : i1 to vector<128x8xi1>
    %ne3A_62 = vector.broadcast %ne3A_61 : vector<128x8xi1> to vector<128x8xi1>
    %ne3A_63 = arith.xori %lt3A_58, %ne3A_62 : vector<128x8xi1>
    %and3A_64 = arith.andi %ne3A_63, %ne3A_55 : vector<128x8xi1>
    %add3A_65 = vector.broadcast %select_n3A_50 : i32 to vector<128x8xi32>
    %add3A_66 = arith.addi %rem3A_52, %add3A_65 : vector<128x8xi32>
    %select_n3A_67 = arith.select %and3A_64, %add3A_66, %rem3A_52 : vector<128x8xi1>, vector<128x8xi32>
    %lt3A_68 = arith.constant 16 : i32
    %lt3A_69 = vector.broadcast %lt3A_68 : i32 to vector<128x8xi32>
    %lt3A_70 = arith.cmpi slt, %select_n3A_67, %lt3A_69 : vector<128x8xi32>
    %lt3A_71 = arith.constant 4 : i32
    %lt3A_72 = vector.broadcast %lt3A_71 : i32 to vector<128x8xi32>
    %lt3A_73 = arith.cmpi slt, %iota3A_2, %lt3A_72 : vector<128x8xi32>
    %eq3A_74 = arith.xori %lt3A_70, %lt3A_73 : vector<128x8xi1>
    %eq3A_75 = arith.constant dense<true> : vector<128x8xi1>
    %eq3A_76 = arith.xori %eq3A_74, %eq3A_75 : vector<128x8xi1>
    %and3A_77 = arith.andi %eq3A_45, %eq3A_76 : vector<128x8xi1>
    %convert_element_type3A = arith.extui %and3A_77 : vector<128x8xi1> to vector<128x8xi32>
    %convert_element_type3A_78 = arith.sitofp %convert_element_type3A : vector<128x8xi32> to vector<128x8xf32>
    %convert_element_type3A_79 = arith.truncf %convert_element_type3A_78 : vector<128x8xf32> to vector<128x8xbf16>
    %convert_element_type3A_80 = arith.truncf %get3A_1 : vector<4096x128xf32> to vector<4096x128xbf16>
    %dot_general3A = arith.constant dense<0.000000e+00> : vector<4096x8xf32>
    %dot_general3A_81 = tpu.matmul %convert_element_type3A_80, %convert_element_type3A_79, %dot_general3A {dimension_numbers = #tpu.dot_dimension_numbers<[1], [0], [0], [1], [0, 0, 1, 1], [], []>, transpose_lhs_hint = false} : vector<4096x128xbf16>, vector<128x8xbf16>, vector<4096x8xf32> -> vector<4096x8xf32>
    %slice3A = vector.extract_strided_slice %dot_general3A_81 {offsets = [0, 0], sizes = [4096, 4], strides = [1, 1]} : vector<4096x8xf32> to vector<4096x4xf32>
    %neg3A = arith.constant 0.000000e+00 : f32
    %neg3A_82 = vector.broadcast %neg3A : f32 to vector<4096x4xf32>
    %neg3A_83 = arith.subf %neg3A_82, %slice3A : vector<4096x4xf32>
    %custom_jvp_call3A = arith.constant 0.000000e+00 : f32
    %max3A = vector.broadcast %custom_jvp_call3A : f32 to vector<4096x4xf32>
    %max3A_84 = arith.maximumf %neg3A_83, %max3A : vector<4096x4xf32>
    %sub3A_85 = vector.broadcast %custom_jvp_call3A : f32 to vector<4096x4xf32>
    %sub3A_86 = arith.subf %neg3A_83, %sub3A_85 : vector<4096x4xf32>
    %ne3A_87 = arith.cmpf one, %sub3A_86, %sub3A_86 : vector<4096x4xf32>
    %add3A_88 = vector.broadcast %custom_jvp_call3A : f32 to vector<4096x4xf32>
    %add3A_89 = arith.addf %neg3A_83, %add3A_88 : vector<4096x4xf32>
    %abs3A = math.absf %sub3A_86 : vector<4096x4xf32>
    %neg3A_90 = arith.constant 0.000000e+00 : f32
    %neg3A_91 = vector.broadcast %neg3A_90 : f32 to vector<4096x4xf32>
    %neg3A_92 = arith.subf %neg3A_91, %abs3A : vector<4096x4xf32>
    %exp3A = math.exp %neg3A_92 : vector<4096x4xf32>
    %log1p3A = math.log1p %exp3A : vector<4096x4xf32>
    %add3A_93 = arith.addf %max3A_84, %log1p3A : vector<4096x4xf32>
    %select_n3A_94 = arith.select %ne3A_87, %add3A_89, %add3A_93 : vector<4096x4xi1>, vector<4096x4xf32>
    %neg3A_95 = arith.constant 0.000000e+00 : f32
    %neg3A_96 = vector.broadcast %neg3A_95 : f32 to vector<4096x4xf32>
    %neg3A_97 = arith.subf %neg3A_96, %select_n3A_94 : vector<4096x4xf32>
    %slice3A_98 = vector.extract_strided_slice %dot_general3A_81 {offsets = [0, 4], sizes = [4096, 4], strides = [1, 1]} : vector<4096x8xf32> to vector<4096x4xf32>
    %reduce_sum3A = vector.shape_cast %slice3A_98 : vector<4096x4xf32> to vector<1x4096x4xf32>
    %reduce_sum3A_99 = arith.constant dense<0.000000e+00> : vector<1xf32>
    %reduce_sum3A_100 = vector.multi_reduction <add>, %reduce_sum3A, %reduce_sum3A_99 [1, 2] : vector<1x4096x4xf32> to vector<1xf32>
    %reduce_sum3A_101 = vector.shape_cast %reduce_sum3A_100 : vector<1xf32> to vector<1x1x1xf32>
    %reduce_sum3A_102 = vector.extract %reduce_sum3A_101[0, 0, 0] : f32 from vector<1x1x1xf32>
    %mul3A = arith.constant 2.500000e-02 : f32
    %mul3A_103 = arith.mulf %mul3A, %reduce_sum3A_102 : f32
    %reduce_sum3A_104 = vector.shape_cast %neg3A_97 : vector<4096x4xf32> to vector<1x4096x4xf32>
    %reduce_sum3A_105 = arith.constant dense<0.000000e+00> : vector<1xf32>
    %reduce_sum3A_106 = vector.multi_reduction <add>, %reduce_sum3A_104, %reduce_sum3A_105 [1, 2] : vector<1x4096x4xf32> to vector<1xf32>
    %reduce_sum3A_107 = vector.shape_cast %reduce_sum3A_106 : vector<1xf32> to vector<1x1x1xf32>
    %reduce_sum3A_108 = vector.extract %reduce_sum3A_107[0, 0, 0] : f32 from vector<1x1x1xf32>
    %sub3A_109 = arith.subf %mul3A_103, %reduce_sum3A_108 : f32
    %swap3A = arith.constant 0 : index
    %swap3A_110 = arith.constant 0 : index
    %swap3A_111 = memref.load %arg1[%swap3A, %swap3A_110] : memref<1x1xf32, #tpu.memory_space<smem>>
    memref.store %sub3A_109, %arg1[%swap3A, %swap3A_110] : memref<1x1xf32, #tpu.memory_space<smem>>
    return
  }
}

</mosaic_0001>

<sc_bundles>
// kernel: kernel.4.cloned.1.call-start
scs
__scs_entry_jumppad:
0x0: {  	(pc) =	sbr.rel $0x88, $3  }
0x1: {  	(tag) =	ssettag $0x0;
	lr =	simm.s32 $0x1  }
0x2: {  	[smem:$0x3F9C] =	sst lr;
	_ =	strace $0xD0000000  }
0x3: {  	_ = 	snop  }
0x4: {  	_ = 	snop  }
0x5: {  	_ = 	snop  }
0x6: {  	_ = 	snop  }
0x7: {  	_ = 	snop  }
__scs_overlays_trampoline_lowered:
0x8: {  	[smem:$0x3FAB] =	sst s0  }
0x9: {  	[smem:$0x3FAC] =	sst s1  }
0xa: {  	[smem:$0x3FAD] =	sst s2  }
0xb: {  	[smem:$0x3FAE] =	sst s3  }
0xc: {  	[smem:$0x3FAF] =	sst s4  }
0xd: {  	[smem:$0x3FB0] =	sst s5  }
0xe: {  	[smem:$0x3FB1] =	sst s6  }
0xf: {  	[smem:$0x3FB2] =	sst s7  }
0x10: {  	[smem:$0x3FB3] =	sst s8  }
0x11: {  	[smem:$0x3FB4] =	sst s9;
	s0 =	simm.s32 @!p0 $0x0  }
0x12: {  	s1 =	sld [smem:$0x3F9A];
	s0 =	simm.s32 @p0 $0x1  }
0x13: {  	[smem:$0x3FB5] =	sst s0;
	s0 =	simm.s32 @!p1 $0x0  }
0x14: {  	s2 =	sld [smem:$0x3F99];
	s0 =	simm.s32 @p1 $0x1  }
0x15: {  	[smem:$0x3FB6] =	sst s0;
	s0 =	simm.s32 @!p2 $0x0  }
0x16: {  	s3 =	sld [smem:$0x3FDB];
	s0 =	simm.s32 @p2 $0x1  }
0x17: {  	s4 =	simm.s32 $0x1BF5;
	[smem:$0x3FB8] =	sst s0  }
0x18: {  	s0 =	sld [smem:$0x3F9B];
	_ =	swait.ge [sflag:s4], $0x0  }
0x19: {  	s7 =	sld [smem:$0x3F9C]  }
0x1a: {  	s8 =	sadd.s32 $0xFFFFE003, lr  }
0x1b: {  	s9 =	sadd.s32 $0xFFFFFEF7, lr;
	s5 =	simm.s32 $0xFFFFFFFF;
	p2 =	slt.u32 s8, $0xFFFFF086  }
0x1c: {  	p1 =	slt.u32 s9, $0xF7A;
	s5 =	simm.s32 @!p2 $0x0  }
0x1d: {  	s5 =	simm.s32 @p1 $0x1;
	p0 =	seq.s32 s7, s2  }
0x1e: {  	s7 =	smul.u32 @!p0 $0xF7A, s2;
	p2 =	seq.s32 @!p0 s5, $0x0  }
0x1f: {  	s9 =	smul.u32 $0xF7A, s1;
	s8 =	simm.s32 @!p0 $0x1BF5;
	p2 =	por !p2, p0  }
0x20: {  	[sflag:s8] =	ssyncset.s32 @!p0 $0xFFFFF086;
	s6 =	sadd.s32 @!p0 s3, s7;
	s7 =	simm.s32 @!p0 $0x108  }
0x21: {  	s3 =	sadd.s32 s3, s9;
	s6 =	sadd.s32 @!p0 $0x88, s6;
	s7 =	simm.s32 @p2 $0x1082  }
0x22: {  	[simem:s7], [sflag:s8] =	dma.local @!p0 [hbm:s6], $0xF7A  }
0x23: {  	s9 =	sor.u32 $0xD0000000, s2;
	s6 =	simm.s32 $0x108;
	_ =	swait.ge @!p0 [sflag:s8], $0x0  }
0x24: {  	s3 =	sadd.s32 $0x88, s3;
	s6 =	simm.s32 @!p1 $0x1082;
	[sflag:s4] =	ssyncset.s32 $0xFFFFF086  }
0x25: {  	[simem:s6], [sflag:s4] =	dma.local [hbm:s3], $0xF7A  }
0x26: {  	[smem:$0x3F9C] =	sst s1;
	(tag) =	ssettag s2;
	_ =	strace s9  }
0x27: {  	s1 =	sld [smem:$0x3FAC]  }
0x28: {  	s2 =	sld [smem:$0x3FAD]  }
0x29: {  	s4 =	sld [smem:$0x3FAF]  }
0x2a: {  	p0 =	seq.s32 s5, $0x0;
	s5 =	sld [smem:$0x3FB0]  }
0x2b: {  	s6 =	sld [smem:$0x3FB1]  }
0x2c: {  	s7 =	sld [smem:$0x3FB2]  }
0x2d: {  	s3 =	simm.s32 $0x108;
	s8 =	sld [smem:$0x3FB3]  }
0x2e: {  	s3 =	simm.s32 @!p0 $0x1082;
	s9 =	sld [smem:$0x3FB4]  }
0x2f: {  	lr =	sadd.s32 s0, s3;
	s0 =	sld [smem:$0x3FAB]  }
0x30: {  	s3 =	sld [smem:$0x3FAE]  }
0x31: {  	[smem:$0x3FB7] =	sst s10  }
0x32: {  	s10 =	sld [smem:$0x3FB5];
	_ =	sdelay $0x3  }
0x33: {  	p0 =	seq.s32 s10, $0x1;
	s10 =	sld [smem:$0x3FB7];
	_ =	sdelay $0x3  }
0x34: {  	[smem:$0x3FB7] =	sst s10  }
0x35: {  	s10 =	sld [smem:$0x3FB6];
	_ =	sdelay $0x3  }
0x36: {  	p1 =	seq.s32 s10, $0x1;
	s10 =	sld [smem:$0x3FB7];
	_ =	sdelay $0x3  }
0x37: {  	[smem:$0x3FB7] =	sst s10  }
0x38: {  	s10 =	sld [smem:$0x3FB8]  }
0x39: {  	_ = 	snop;
	(pc) =	sbr.ind lr, $3  }
0x3a: {  	_ = 	snop  }
0x3b: {  	_ = 	snop  }
0x3c: {  	p2 =	seq.s32 s10, $0x1;
	s10 =	sld [smem:$0x3FB7]  }
0x3d: {  	_ =	shalt  }
0x3e: {  	_ =	shalt  }
0x3f: {  	_ =	shalt  }
0x40: {  	_ =	shalt  }
0x41: {  	_ =	shalt  }
0x42: {  	_ =	shalt  }
0x43: {  	_ =	shalt  }
0x44: {  	_ =	shalt  }
0x45: {  	_ =	shalt  }
0x46: {  	_ =	shalt  }
0x47: {  	_ =	shalt  }
0x48: {  	_ =	shalt  }
0x49: {  	_ =	shalt  }
0x4a: {  	_ =	shalt  }
0x4b: {  	_ =	shalt  }
0x4c: {  	_ =	shalt  }
0x4d: {  	_ =	shalt  }
0x4e: {  	_ =	shalt  }
0x4f: {  	_ =	shalt  }
0x50: {  	_ =	shalt  }
0x51: {  	_ =	shalt  }
0x52: {  	_ =	shalt  }
0x53: {  	_ =	shalt  }
0x54: {  	_ =	shalt  }
0x55: {  	_ =	shalt  }
0x56: {  	_ =	shalt  }
0x57: {  	_ =	shalt  }
0x58: {  	_ =	shalt  }
0x59: {  	_ =	shalt  }
0x5a: {  	_ =	shalt  }
0x5b: {  	_ =	shalt  }
0x5c: {  	_ =	shalt  }
0x5d: {  	_ =	shalt  }
0x5e: {  	_ =	shalt  }
0x5f: {  	_ =	shalt  }
0x60: {  	_ =	shalt  }
0x61: {  	_ =	shalt  }
0x62: {  	_ =	shalt  }
0x63: {  	_ =	shalt  }
0x64: {  	_ =	shalt  }
0x65: {  	_ =	shalt  }
0x66: {  	_ =	shalt  }
0x67: {  	_ =	shalt  }
0x68: {  	_ =	shalt  }
0x69: {  	_ =	shalt  }
0x6a: {  	_ =	shalt  }
0x6b: {  	_ =	shalt  }
0x6c: {  	_ =	shalt  }
0x6d: {  	_ =	shalt  }
0x6e: {  	_ =	shalt  }
0x6f: {  	_ =	shalt  }
0x70: {  	_ =	shalt  }
0x71: {  	_ =	shalt  }
0x72: {  	_ =	shalt  }
0x73: {  	_ =	shalt  }
0x74: {  	_ =	shalt  }
0x75: {  	_ =	shalt  }
0x76: {  	_ =	shalt  }
0x77: {  	_ =	shalt  }
0x78: {  	_ =	shalt  }
0x79: {  	_ =	shalt  }
0x7a: {  	_ =	shalt  }
0x7b: {  	_ =	shalt  }
0x7c: {  	_ =	shalt  }
0x7d: {  	_ =	shalt  }
0x7e: {  	_ =	shalt  }
0x7f: {  	_ =	shalt  }
0x80: {  	_ =	shalt  }
0x81: {  	_ =	shalt  }
0x82: {  	_ =	shalt  }
0x83: {  	_ =	shalt  }
0x84: {  	_ =	shalt  }
0x85: {  	_ =	shalt  }
0x86: {  	_ =	shalt  }
0x87: {  	_ =	shalt  }
.Lfunc_end0:
.L_simem_size_0:
called_computation_lowered:
.L_overlay_start_0:
0x88: {  	s2 =	sld [smem:$0x3FD9]  }
0x89: {  	s3 =	sld [smem:$0x3FFE];
	_ =	sdelay $0x1  }
0x8a: {  	s1 =	srdreg.scid  }
0x8b: {  	s0 =	sand.u32 $0x1, s1  }
0x8c: {  	s17 =	sshll.u32 s0, $0xA;
	s2 =	sadd.s32 s3, s2  }
0x8d: {  	s2 =	sadd.s32 s2, s17  }
0x8e: {  	[smem:$0x3FC3] =	sst s2  }
0x8f: {  	_ = 	snop  }
0x90: {  	s2 =	sld [smem:$0x3FC9]  }
0x91: {  	s18 =	sld [smem:$0x3FC8]  }
0x92: {  	s4 =	sld [smem:$0x3FC7]  }
0x93: {  	s5 =	sld [smem:$0x3FC6]  }
0x94: {  	s6 =	sld [smem:$0x3FC5];
	(tm) =	ssettm $0x1  }
0x95: {  	s7 =	sld [smem:$0x3FFB];
	_ =	sdelay $0x3  }
0x96: {  	_ =	strace s7  }
0x97: {  	s7 =	sld [smem:$0x3FFC];
	_ =	sdelay $0x3  }
0x98: {  	_ =	strace s7  }
0x99: {  	s7 =	sld [smem:$0x3FFD];
	_ =	sdelay $0x3  }
0x9a: {  	_ =	strace s7  }
0x9b: {  	_ =	strace $0x8FFFFFFF  }
0x9c: {  	s19 =	sld [smem:$0x3FDB];
	_ =	sdelay $0x1  }
0x9d: {  	s8 =	simm.s32 $_scs_section_size  }
0x9e: {  	s9 =	simm.s32 $_size__tile_overlayer_lowered;
	s10 =	simm.s32 $_tile_overlayer_lowered  }
0x9f: {  	s22 =	simm.s32 $0x1BFF;
	s21 =	sshll.u32 s10, $0x1;
	s7 =	sadd.s32 s8, s19  }
0xa0: {  	s11 =	simm.s32 $0x0;
	s20 =	sshll.u32 s9, $0x1;
	s9 =	sadd.s32 s21, s7  }
0xa1: {  	[timem:s11], [sflag:s22] =	dma.local [hbm:s9], s20  }
0xa2: {  	_ =	swait.ge [sflag:s22], s20  }
0xa3: {  	s8 =	ssub.s32 $0x0, s20;
	[sflag:s22] =	ssyncset.done $0x0  }
0xa4: {  	[sflag:s22] =	ssyncadd.s32 s8;
	_ =	sdelay $0x1  }
0xa5: {  	s23 =	simm.s32 $0x1B8B  }
0xa6: {  	_ =	swait.ge [sflag:s23], $0x1  }
0xa7: {  	[sflag:s23] =	ssyncset.done $0x0  }
0xa8: {  	s25 =	simm.s32 $0x1B8E;
	s24 =	sld [smem:$0x3FFE];
	[sflag:s23] =	ssyncadd.s32 $0xFFFFFFFF  }
0xa9: {  	s26 =	simm.s32 $execute0_lowered;
	[smem:$0x3FD2] =	sst s25  }
0xaa: {  	s9 =	sshll.u32 s26, $0x1;
	_ =	strace $0x80000046;
	[dreg:$0x1] =	wrdreg $0xFFFFFFFF  }
0xab: {  	s28 =	simm.s32 $_size_execute0_lowered;
	s7 =	sadd.s32 s7, s9;
	[dreg:$0x0] =	wrdreg $0x0  }
0xac: {  	s9 =	sshll.u32 s28, $0x1;
	[dreg:$0x2] =	wrdreg s7  }
0xad: {  	[dreg:$0x3] =	wrdreg s9  }
0xae: {  	[dreg:$0x4] =	wrdreg $0xC0  }
0xaf: {  	_ =	task [dreg:s11], $0x5FFFF  }
0xb0: {  	[dreg:$0x1] =	wrdreg $0xFFFFFFFF  }
0xb1: {  	[dreg:$0x0] =	wrdreg $0x60  }
0xb2: {  	[dreg:$0x2] =	wrdreg s2  }
0xb3: {  	[dreg:$0x3] =	wrdreg s18  }
0xb4: {  	[dreg:$0x4] =	wrdreg s4  }
0xb5: {  	[dreg:$0x5] =	wrdreg s5  }
0xb6: {  	[dreg:$0x6] =	wrdreg s6  }
0xb7: {  	[dreg:$0x7] =	wrdreg s24  }
0xb8: {  	[dreg:$0x8] =	wrdreg $0x9  }
0xb9: {  	_ =	task.clear_ibuf [dreg:s11], $0x9FFFF;
	_ =	strace $0x90000046  }
0xba: {  	s29 =	simm.s32 $0x9;
	_ =	strace $0x80000048  }
0xbb: {  	_ =	swait.ge [sflag:s29], $0x1  }
0xbc: {  	[sflag:s29] =	ssyncadd.s32 $0xFFFFFFFF  }
0xbd: {  	_ =	strace $0x90000048  }
0xbe: {  	_ =	sfence  }
0xbf: {  	s30 =	sld [smem:$0x0];
	_ =	sdelay $0x2  }
0xc0: {  	s31 =	sshll.u32 s1, $0xD;
	s1 =	sshrl.u32 s1, $0x2  }
0xc1: {  	s3 =	sand.u32 $0x4000, s31;
	s1 =	sadd.s32 s1, s30  }
0xc2: {  	s0 =	sor.u32 s3, s0;
	s1 =	sshll.u32 s1, $0x11  }
0xc3: {  	s0 =	sor.u32 s1, s0  }
0xc4: {  	s0 =	sadd.s32 $0x8F2B, s0  }
0xc5: {  	[sflag:s0] =	ssyncadd.remote.s32 $0x1  }
0xc6: {  	_ =	sfence.sel $0xFFFF  }
0xc7: {  	[dreg:$0x0] =	wrdreg $0xFFFFFFFF;
	(pc) =	sbr.abs _section_cstart, $3  }
0xc8: {  	[dreg:$0x1] =	wrdreg $0xFFFFFFFF  }
0xc9: {  	_ =	task.clear_ibuf [dreg:s11], $0x2FFFF;
	_ =	strace $0x9FFFFFFF  }
0xca: {  	(tm) =	ssettm $0x7FFFFFFF  }
0xcb: {  	_ =	shalt  }
tec
execute0_lowered:
.L_overlay_start_1:
0x0: {  	(tag) =	ssettag $0x1  }
0x1: {  	s0 =	rddreg [dreg:$0x0]  }
0x2: {  	s2 =	rddreg [dreg:$0x1]  }
0x3: {  	s7 =	rddreg [dreg:$0x2]  }
0x4: {  	s1 =	rddreg [dreg:$0x3]  }
0x5: {  	s3 =	rddreg [dreg:$0x4]  }
0x6: {  	s5 =	rddreg [dreg:$0x5];
	s6 =	srdreg.scid  }
0x7: {  	s8 =	stileid.u32;
	s4 =	simm.s32 $0x0;
	s11 =	simm.s32 $0x400  }
0x8: {  	s12 =	simm.s32 $0x3;
	s13 =	simm.s32 $0x80;
	s20 =	simm.s32 $0x480  }
0x9: {  	s21 =	simm.s32 $0x14600;
	s22 =	simm.s32 $0x18600;
	s23 =	simm.s32 $0x4  }
0xa: {  	s24 =	simm.s32 $0x0;
	s6 =	sand.u32 $0x1, s6;
	s8 =	sshll.u32 s8, $0x1  }
0xb: {  	[smem:$0x7FF] =	sst s4;
	s8 =	sor.u32 s6, s8;
	s6 =	ssub.s32 $0x2, s6  }
0xc: {  	_ =	strace $0x80000047;
	s9 =	sshll.u32 s8, $0xB;
	s31 =	sshrl.u32 s6, $0x1  }
0xd: {  	s8 =	sshll.u32 s8, $0x6;
	s9 =	sadd.s32 s9, s5;
	s10 =	ssub.s32 s6, s31  }
0xe: {  	s5 =	sadd.s32 s0, s8;
	s6 =	sadd.s32 s2, s8;
	s7 =	sadd.s32 s7, s8  }
0xf: {  	s8 =	sadd.s32 $0x600, s9;
	s9 =	smax.u32 s10, $0x1;
	s10 =	simm.s32 $0x200  }
.LBB2_1:
0x10: {  	[tilespmem:s4], [sflag:$0x3] =	stream.linear.gather [hbm4b:s5+s4], $0x200, $0x38;
	[tilespmem:$0x1C600] =	vst v63  }
0x11: {  	_ = 	snop  }
0x12: {  	[tilespmem:s10], [sflag:$0x3] =	stream.linear.gather [hbm4b:s6+s4], $0x200, $0x38;
	[tilespmem:$0x1C600] =	vst v63  }
0x13: {  	_ = 	snop  }
0x14: {  	[tilespmem:s11], [sflag:$0x3] =	stream.linear.gather [hbm4b:s7+s4], $0x200, $0x38;
	[tilespmem:$0x1C600] =	vst v63  }
0x15: {  	_ =	swait.ge [sflag:s12], $0x200  }
0x16: {  	[sflag:s12] =	ssyncset.done $0x0  }
0x17: {  	[sflag:s12] =	ssyncadd.s32 $0xFFFFFE00  }
0x18: {  	_ =	swait.ge [sflag:s12], $0x200  }
0x19: {  	[sflag:s12] =	ssyncset.done $0x0  }
0x1a: {  	[sflag:s12] =	ssyncadd.s32 $0xFFFFFE00  }
0x1b: {  	_ =	swait.ge [sflag:s12], $0x200  }
0x1c: {  	[sflag:s12] =	ssyncset.done $0x0  }
0x1d: {  	s0 =	simm.s32 $0x600;
	[sflag:s12] =	ssyncadd.s32 $0xFFFFFE00  }
0x1e: {  	[tilespmem:s0], [sflag:$0x1] =	stream.indirect.gather [hbm4b:s1+s13], $0x80, s4, s13, $0xb8;
	[tilespmem:$0x1C600] =	vst v63  }
0x1f: {  	s28 =	simm.s32 $0x8600  }
0x20: {  	[tilespmem:s28], [sflag:$0x1] =	stream.indirect.gather [hbm4b:s3+s13], $0x80, s10, s13, $0xb8;
	[tilespmem:$0x1C600] =	vst v63  }
0x21: {  	s29 =	simm.s32 $0x10600  }
0x22: {  	[tilespmem:s29], [sflag:$0x1] =	stream.indirect.gather [hbm4b:s3+s13], $0x80, s11, s13, $0xb8;
	[tilespmem:$0x1C600] =	vst v63  }
0x23: {  	s30 =	simm.s32 $0x4600  }
0x24: {  	[tilespmem:s30], [sflag:$0x2] =	stream.indirect.gather [hbm4b:s1+s13], $0x80, s13, s13, $0xb8;
	[tilespmem:$0x1C600] =	vst v63  }
0x25: {  	s31 =	simm.s32 $0x280;
	s2 =	simm.s32 $0xC600  }
0x26: {  	[tilespmem:s2], [sflag:$0x2] =	stream.indirect.gather [hbm4b:s3+s13], $0x80, s31, s13, $0xb8;
	[tilespmem:$0x1C600] =	vst v63  }
0x27: {  	p0 =	por $0x0, $0x0;
	s25 =	simm.s32 $0x0  }
0x28: {  	[tilespmem:s21], [sflag:$0x2] =	stream.indirect.gather [hbm4b:s3+s13], $0x80, s20, s13, $0xb8;
	[tilespmem:$0x1C600] =	vst v63  }
.LBB2_2:
0x29: {  	s0 =	sand.u32 $0x1, s25  }
0x2a: {  	s26 =	sadd.s32 $0x1, s0  }
0x2b: {  	_ =	swait.ge [sflag:s26], $0x4000  }
0x2c: {  	[sflag:s26] =	ssyncset.done $0x0  }
0x2d: {  	[sflag:s26] =	ssyncadd.s32 $0xFFFFC000  }
0x2e: {  	_ =	swait.ge [sflag:s26], $0x4000  }
0x2f: {  	[sflag:s26] =	ssyncset.done $0x0  }
0x30: {  	s0 =	simm.s32 $0x1;
	[sflag:s26] =	ssyncadd.s32 $0xFFFFC000  }
0x31: {  	s0 =	simm.s32 @!p0 $0x0;
	_ =	swait.ge [sflag:s26], $0x4000  }
0x32: {  	s0 =	sshll.u32 s0, $0xE;
	[sflag:s26] =	ssyncset.done $0x0  }
0x33: {  	s14 =	sor.u32 $0x640, s0;
	[sflag:s26] =	ssyncadd.s32 $0xFFFFC000  }
0x34: {  	s2 =	sor.u32 $0x10640, s0;
	v1 =	vld [tilespmem:s14+$0xFFFFFFE0]  }
0x35: {  	s0 =	sor.u32 $0x8640, s0;
	v4 =	vld [tilespmem:s2+$0x30]  }
0x36: {  	v2 =	vld [tilespmem:s0+$0x0]  }
0x37: {  	v3 =	vld [tilespmem:s2+$0xFFFFFFE0]  }
0x38: {  	v5 =	vld [tilespmem:s2+$0xFFFFFFD0]  }
0x39: {  	v6 =	vld [tilespmem:s2+$0xFFFFFFC0]  }
0x3a: {  	v7 =	vld [tilespmem:s14+$0xFFFFFFC0]  }
0x3b: {  	v8 =	vld [tilespmem:s0+$0xFFFFFFD0]  }
0x3c: {  	v9 =	vld [tilespmem:s14+$0xFFFFFFD0]  }
0x3d: {  	v10 =	vld [tilespmem:s0+$0xFFFFFFC0]  }
0x3e: {  	s28 =	sadd.s32 $0x80, s14;
	v11 =	vld [tilespmem:s0+$0xFFFFFFE0]  }
0x3f: {  	v0 =	vld [tilespmem:s28+$0xFFFFFFE0]  }
0x40: {  	v14 =	vld [tilespmem:s14+$0xFFFFFFF0];
	v12 =	vmul.f32 v1, v1;
	v13 =	vmul.f32 v3, v3  }
0x41: {  	v18 =	vld [tilespmem:s0+$0xFFFFFFF0];
	v15 =	vmul.f32 v7, v7;
	v16 =	vmul.f32 v6, v6;
	v17 =	vsub.f32 v8, v5  }
0x42: {  	v20 =	vld [tilespmem:s14+$0x0];
	v19 =	vmul.f32 v9, v9;
	v8 =	vmul.f32 v8, v8;
	v6 =	vsub.f32 v10, v6  }
0x43: {  	v21 =	vld [tilespmem:s14+$0x20];
	v10 =	vmul.f32 v10, v10;
	v5 =	vmul.f32 v5, v5;
	v3 =	vsub.f32 v11, v3  }
0x44: {  	v9 =	vmul.f32 v17, v9;
	v17 =	vld [tilespmem:s2+$0xFFFFFFF0];
	v15 =	vadd.f32 v19, v15;
	v6 =	vmul.f32 v6, v7  }
0x45: {  	v8 =	vadd.f32 v8, v10;
	v10 =	vmul.f32 v11, v11;
	v11 =	vld [tilespmem:s2+$0x0];
	v5 =	vadd.f32 v5, v16  }
0x46: {  	v12 =	vadd.f32 v12, v15;
	v6 =	vadd.f32 v9, v6;
	v9 =	vmul.f32 v14, v14;
	v15 =	vld [tilespmem:s14+$0x10]  }
0x47: {  	v19 =	vmul.f32 v18, v18;
	v1 =	vmul.f32 v3, v1;
	v8 =	vadd.f32 v10, v8;
	v10 =	vld [tilespmem:s2+$0x10]  }
0x48: {  	v7 =	vld [tilespmem:s0+$0x10];
	v5 =	vadd.f32 v13, v5;
	v9 =	vadd.f32 v9, v12;
	v12 =	vmul.f32 v20, v20  }
0x49: {  	v16 =	vld [tilespmem:s0+$0x20];
	v1 =	vadd.f32 v1, v6;
	v3 =	vsub.f32 v18, v17;
	v13 =	vmul.f32 v17, v17  }
0x4a: {  	v6 =	vadd.f32 v19, v8;
	v8 =	vld [tilespmem:s0+$0x30];
	v9 =	vadd.f32 v12, v9  }
0x4b: {  	v17 =	vld [tilespmem:s14+$0x30];
	v3 =	vmul.f32 v3, v14;
	v14 =	vmul.f32 v2, v2;
	v13 =	vadd.f32 v13, v5  }
0x4c: {  	s31 =	sadd.s32 $0x80, s2;
	v18 =	vld [tilespmem:s2+$0x20];
	v2 =	vsub.f32 v2, v11;
	v5 =	vmul.f32 v15, v15;
	v19 =	vmul.f32 v10, v10  }
0x4d: {  	s14 =	sadd.s32 $0x80, s0;
	v12 =	vadd.f32 v3, v1;
	v3 =	vadd.f32 v14, v6;
	v6 =	vmul.f32 v7, v7;
	v1 =	vld [tilespmem:s31+$0x30]  }
0x4e: {  	v7 =	vsub.f32 v7, v10;
	v14 =	vmul.f32 v2, v20;
	v9 =	vadd.f32 v5, v9;
	v2 =	vld [tilespmem:s14+$0x0]  }
0x4f: {  	v10 =	vmul.f32 v21, v21;
	v20 =	vmul.f32 v16, v16;
	v22 =	vsub.f32 v8, v4;
	v5 =	vld [tilespmem:s31+$0xFFFFFFD0]  }
0x50: {  	v6 =	vadd.f32 v6, v3;
	v3 =	vld [tilespmem:s31+$0xFFFFFFE0];
	v15 =	vmul.f32 v7, v15;
	v12 =	vadd.f32 v14, v12  }
0x51: {  	v23 =	vmul.f32 v17, v17;
	v14 =	vmul.f32 v11, v11;
	v7 =	vld [tilespmem:s31+$0xFFFFFFC0];
	v24 =	vadd.f32 v10, v9  }
0x52: {  	s29 =	sshll.u32 s25, $0xE;
	v20 =	vadd.f32 v20, v6;
	v6 =	vld [tilespmem:s28+$0xFFFFFFC0];
	v10 =	vadd.f32 v15, v12;
	v15 =	vmul.f32 v8, v8  }
0x53: {  	s19 =	sshrl.u32 s29, $0x2;
	v25 =	vsub.f32 v16, v18;
	v11 =	vld [tilespmem:s14+$0xFFFFFFD0];
	v12 =	vmul.f32 v18, v18;
	v14 =	vadd.f32 v14, v13  }
0x54: {  	s15 =	simm.s32 $0x40;
	s30 =	sadd.s32 $0x18600, s19;
	v9 =	vld [tilespmem:s28+$0xFFFFFFD0];
	v8 =	vmul.f32 v22, v17;
	v16 =	vadd.f32 v23, v24;
	v18 =	vadd.f32 v15, v20  }
0x55: {  	s16 =	sadd.s32 $0x80, s28;
	s2 =	simm.s32 $0x0;
	s0 =	simm.s32 $0x20;
	v13 =	vld [tilespmem:s14+$0xFFFFFFC0];
	v17 =	vadd.f32 v19, v14;
	v15 =	vmul.f32 v25, v21;
	v14 =	vmul.f32 v4, v4;
	v4 =	vmovc v0  }
.LBB2_3:
0x56: {  	p1 =	sne.s32 s15, $0xFE0;
	v19 =	vmul.f32 v4, v0;
	v4 =	vld [tilespmem:s16+$0xFFFFFFE0];
	v20 =	vmul.f32 v3, v3;
	v16 =	vadd.f32 v18, v16;
	s17 =	smov.u32 s15;
	s15 =	sadd.s32 $0x20, s15  }
0x57: {  	v22 =	vmul.f32 v2, v2;
	v18 =	vmul.f32 v6, v6;
	v21 =	vld [tilespmem:s14+$0xFFFFFFE0];
	v12 =	vadd.f32 v12, v17  }
0x58: {  	v17 =	vmul.f32 v7, v7;
	v10 =	vadd.f32 v15, v10;
	v23 =	vsub.f32 v11, v5;
	v24 =	vld [tilespmem:s28+$0xFFFFFFF0]  }
0x59: {  	s18 =	sand.u32 $0xF80, s2;
	v11 =	vmul.f32 v11, v11;
	v15 =	vmul.f32 v9, v9;
	v25 =	vld [tilespmem:s14+$0xFFFFFFF0];
	v12 =	vadd.f32 v14, v12  }
0x5a: {  	s19 =	sand.u32 $0x60, s2;
	s2 =	smov.u32 s0;
	s18 =	sadd.s32 s18, s30;
	v8 =	vadd.f32 v8, v10;
	v7 =	vsub.f32 v13, v7;
	v13 =	vmul.f32 v13, v13;
	v14 =	vld [tilespmem:s28+$0x0]  }
0x5b: {  	s0 =	smov.u32 s17;
	v5 =	vmul.f32 v5, v5;
	s18 =	sadd.s32 s19, s18;
	v9 =	vmul.f32 v23, v9;
	v10 =	vadd.f32 v15, v18;
	v15 =	vld [tilespmem:s31+$0xFFFFFFF0]  }
0x5c: {  	v6 =	vmul.f32 v7, v6;
	v7 =	vadd.f32 v11, v13;
	v11 =	vld [tilespmem:s14+$0x10];
	[tilespmem:s18+$0x0] =	vst v8;
	v8 =	vadd.f32 v12, v16  }
0x5d: {  	v3 =	vsub.f32 v21, v3;
	v12 =	vmul.f32 v21, v21;
	v10 =	vadd.f32 v19, v10;
	v13 =	vld [tilespmem:s31+$0x0]  }
0x5e: {  	v6 =	vadd.f32 v9, v6;
	v9 =	vmul.f32 v24, v24;
	v16 =	vmul.f32 v25, v25;
	v18 =	vld [tilespmem:s28+$0x10];
	[tilespmem:s18+$0x10] =	vst v8  }
0x5f: {  	v5 =	vadd.f32 v5, v17;
	v3 =	vmul.f32 v3, v0;
	v7 =	vadd.f32 v12, v7;
	v0 =	vmovc v4;
	v8 =	vld [tilespmem:s31+$0x10]  }
0x60: {  	v12 =	vsub.f32 v25, v15;
	v9 =	vadd.f32 v9, v10;
	v10 =	vmul.f32 v14, v14;
	v19 =	vld [tilespmem:s28+$0x20]  }
0x61: {  	v5 =	vadd.f32 v20, v5;
	v3 =	vadd.f32 v3, v6;
	v6 =	vmul.f32 v15, v15;
	v15 =	vld [tilespmem:s14+$0x20]  }
0x62: {  	v7 =	vadd.f32 v16, v7;
	v12 =	vmul.f32 v12, v24;
	v9 =	vadd.f32 v10, v9;
	v16 =	vld [tilespmem:s14+$0x30]  }
0x63: {  	v17 =	vadd.f32 v6, v5;
	v2 =	vsub.f32 v2, v13;
	v5 =	vmul.f32 v18, v18;
	v20 =	vld [tilespmem:s28+$0x30];
	s28 =	smov.u32 s16  }
0x64: {  	v6 =	vadd.f32 v12, v3;
	v3 =	vadd.f32 v22, v7;
	v7 =	vmul.f32 v11, v11;
	v21 =	vld [tilespmem:s31+$0x20];
	s31 =	sadd.s32 $0x80, s31  }
0x65: {  	s14 =	sadd.s32 $0x80, s14;
	v10 =	vmul.f32 v2, v14;
	v11 =	vsub.f32 v11, v8;
	v22 =	vld [tilespmem:s31+$0x30];
	v9 =	vadd.f32 v5, v9  }
0x66: {  	v14 =	vmul.f32 v8, v8;
	v8 =	vmul.f32 v19, v19;
	v2 =	vld [tilespmem:s14+$0x0];
	v12 =	vadd.f32 v7, v3  }
0x67: {  	v11 =	vmul.f32 v11, v18;
	v18 =	vmul.f32 v15, v15;
	v3 =	vld [tilespmem:s31+$0xFFFFFFE0];
	v23 =	vsub.f32 v16, v1  }
0x68: {  	v13 =	vmul.f32 v13, v13;
	v10 =	vadd.f32 v10, v6;
	v5 =	vld [tilespmem:s31+$0xFFFFFFD0];
	v24 =	vmul.f32 v20, v20  }
.Ltmp0:
0x69: {  	v25 =	vadd.f32 v8, v9;
	v18 =	vadd.f32 v18, v12;
	v7 =	vld [tilespmem:s31+$0xFFFFFFC0];
	v12 =	vmul.f32 v21, v21;
	(pc) =	sbr.rel @p1 .LBB2_3-.Ltmp0, $4  }
0x6a: {  	v10 =	vadd.f32 v11, v10;
	v8 =	vmul.f32 v23, v20;
	v20 =	vmul.f32 v16, v16;
	v6 =	vld [tilespmem:s16+$0xFFFFFFC0]  }
0x6b: {  	v17 =	vadd.f32 v13, v17;
	v15 =	vsub.f32 v15, v21;
	v11 =	vld [tilespmem:s14+$0xFFFFFFD0]  }
0x6c: {  	v16 =	vadd.f32 v24, v25;
	v18 =	vadd.f32 v20, v18;
	v9 =	vld [tilespmem:s16+$0xFFFFFFD0]  }
0x6d: {  	v17 =	vadd.f32 v14, v17;
	v14 =	vmul.f32 v1, v1;
	v1 =	vmovc v22;
	v15 =	vmul.f32 v15, v19;
	s16 =	sadd.s32 $0x80, s16;
	v13 =	vld [tilespmem:s14+$0xFFFFFFC0]  }
0x6e: {  	v20 =	vld [tilespmem:s14+$0xFFFFFFE0]  }
0x6f: {  	v22 =	vld [tilespmem:s28+$0xFFFFFFF0]  }
0x70: {  	v23 =	vld [tilespmem:s14+$0xFFFFFFF0]  }
0x71: {  	v4 =	vmul.f32 v4, v0;
	v24 =	vld [tilespmem:s31+$0xFFFFFFF0]  }
0x72: {  	v19 =	vmul.f32 v3, v3;
	v59 =	vmul.f32 v7, v7;
	v25 =	vld [tilespmem:s28+$0x0]  }
0x73: {  	v16 =	vadd.f32 v18, v16;
	v26 =	vmul.f32 v5, v5;
	v29 =	vld [tilespmem:s14+$0x10];
	v44 =	vmul.f32 v2, v2  }
0x74: {  	v32 =	vld [tilespmem:s31+$0x0];
	v58 =	vmul.f32 v6, v6;
	v12 =	vadd.f32 v12, v17;
	v10 =	vadd.f32 v15, v10  }
0x75: {  	v34 =	vld [tilespmem:s28+$0x10];
	v21 =	vsub.f32 v11, v5;
	v61 =	vmul.f32 v11, v11;
	v5 =	vadd.f32 v26, v59  }
0x76: {  	v38 =	vld [tilespmem:s31+$0x10];
	v60 =	vmul.f32 v9, v9;
	v12 =	vadd.f32 v14, v12;
	v8 =	vadd.f32 v8, v10  }
0x77: {  	v41 =	vld [tilespmem:s28+$0x20];
	v62 =	vsub.f32 v13, v7;
	v63 =	vmul.f32 v13, v13;
	v21 =	vmul.f32 v21, v9  }
0x78: {  	v45 =	vld [tilespmem:s14+$0x30];
	v5 =	vadd.f32 v19, v5;
	v15 =	vadd.f32 v60, v58;
	v31 =	vmul.f32 v20, v20  }
0x79: {  	v43 =	vld [tilespmem:s14+$0x20];
	v30 =	vsub.f32 v20, v3;
	v33 =	vmul.f32 v22, v22;
	v37 =	vmul.f32 v23, v23  }
0x7a: {  	v50 =	vld [tilespmem:s31+$0x20];
	v39 =	vsub.f32 v23, v24;
	v40 =	vmul.f32 v25, v25;
	v42 =	vmul.f32 v24, v24  }
0x7b: {  	v46 =	vsub.f32 v2, v32;
	v47 =	vmul.f32 v34, v34;
	v49 =	vmul.f32 v29, v29  }
0x7c: {  	v11 =	vsub.f32 v29, v38;
	v51 =	vmul.f32 v38, v38;
	v28 =	vadd.f32 v61, v63  }
0x7d: {  	v48 =	vld [tilespmem:s28+$0x30];
	v52 =	vmul.f32 v41, v41;
	v55 =	vsub.f32 v45, v1;
	v27 =	vmul.f32 v62, v6  }
0x7e: {  	v53 =	vmul.f32 v32, v32;
	v4 =	vadd.f32 v4, v15;
	v36 =	vadd.f32 v31, v28  }
0x7f: {  	v10 =	vsub.f32 v43, v50;
	v35 =	vmul.f32 v30, v0;
	v6 =	vadd.f32 v21, v27  }
0x80: {  	v54 =	vmul.f32 v43, v43;
	v4 =	vadd.f32 v33, v4;
	v3 =	vadd.f32 v37, v36  }
0x81: {  	v17 =	vmul.f32 v39, v22;
	v5 =	vadd.f32 v42, v5;
	v0 =	vadd.f32 v35, v6  }
0x82: {  	v57 =	vmul.f32 v48, v48;
	v4 =	vadd.f32 v40, v4;
	v3 =	vadd.f32 v44, v3  }
0x83: {  	v2 =	vmul.f32 v46, v25;
	v5 =	vadd.f32 v53, v5;
	v0 =	vadd.f32 v17, v0  }
0x84: {  	v58 =	vmul.f32 v50, v50;
	v4 =	vadd.f32 v47, v4;
	v3 =	vadd.f32 v49, v3  }
0x85: {  	v56 =	vmul.f32 v11, v34;
	v5 =	vadd.f32 v51, v5;
	v0 =	vadd.f32 v2, v0  }
0x86: {  	v9 =	vmul.f32 v45, v45;
	v4 =	vadd.f32 v52, v4;
	v3 =	vadd.f32 v54, v3  }
0x87: {  	v60 =	vmul.f32 v10, v41;
	v5 =	vadd.f32 v58, v5;
	v0 =	vadd.f32 v56, v0  }
0x88: {  	s18 =	sand.u32 $0xF80, s2;
	v61 =	vmul.f32 v1, v1;
	v59 =	vadd.f32 v57, v4;
	v3 =	vadd.f32 v9, v3  }
0x89: {  	s19 =	sand.u32 $0x60, s2;
	s14 =	sadd.s32 s18, s30;
	v62 =	vadd.f32 v12, v16;
	v63 =	vmul.f32 v55, v48;
	v0 =	vadd.f32 v60, v0  }
0x8a: {  	s28 =	sand.u32 $0xF80, s0;
	s2 =	sadd.s32 s19, s14;
	v1 =	vadd.f32 v61, v5;
	v2 =	vadd.f32 v3, v59  }
0x8b: {  	s31 =	sand.u32 $0x60, s0;
	s14 =	sadd.s32 s28, s30;
	[tilespmem:s2+$0x0] =	vst v8;
	v0 =	vadd.f32 v63, v0  }
0x8c: {  	p1 =	sgt.u32 s25, $0x1;
	s0 =	sadd.s32 s31, s14;
	[tilespmem:s2+$0x10] =	vst v62;
	v1 =	vadd.f32 v1, v2  }
0x8d: {  	s2 =	sshll.u32 @!p1 s25, $0x7;
	[tilespmem:s0+$0x0] =	vst v0  }
0x8e: {  	s15 =	simm.s32 @!p1 $0x80;
	s14 =	sor.u32 @!p1 $0x100, s2;
	[tilespmem:s0+$0x10] =	vst v1;
	s0 =	sadd.s32 @!p1 $0x600, s29  }
0x8f: {  	[tilespmem:s0], [sflag:s26] =	stream.indirect.gather @!p1 [hbm4b:s1+s15], $0x80, s14, s15, $0xb8;
	[tilespmem:$0x1C600] =	vst v63  }
0x90: {  	s0 =	sadd.s32 @!p1 $0x8600, s29;
	s14 =	sadd.s32 @!p1 $0x300, s2  }
0x91: {  	[tilespmem:s0], [sflag:s26] =	stream.indirect.gather @!p1 [hbm4b:s3+s15], $0x80, s14, s15, $0xb8;
	[tilespmem:$0x1C600] =	vst v63  }
0x92: {  	s25 =	sadd.s32 $0x1, s25;
	s2 =	sadd.s32 @!p1 $0x500, s2;
	s0 =	sadd.s32 @!p1 $0x10600, s29  }
0x93: {  	[tilespmem:s0], [sflag:s26] =	stream.indirect.gather @!p1 [hbm4b:s3+s15], $0x80, s2, s15, $0xb8;
	[tilespmem:$0x1C600] =	vst v63  }
0x94: {  	p1 =	sne.s32 s25, $0x4  }
.Ltmp1:
0x95: {  	_ = 	snop;
	(pc) =	sbr.rel @p1 .LBB2_2-.Ltmp1, $2  }
0x96: {  	_ =	sdelay $0x2  }
0x97: {  	p0 =	por !p0, !p0  }
0x98: {  	s24 =	sadd.s32 $0x1, s24  }
0x99: {  	p0 =	sne.s32 s24, s9  }
.Ltmp2:
0x9a: {  	_ = 	snop;
	(pc) =	sbr.rel @p0 .LBB2_1-.Ltmp2, $4  }
0x9b: {  	[hbm4b:s8+s4] =	stream.linear.scatter [tilespmem:s22], [sflag:$0x4], $0x4000, $0x38;
	[tilespmem:$0x1C600] =	vst v63  }
0x9c: {  	_ =	swait.ge [sflag:s23], $0x4000  }
0x9d: {  	[sflag:s23] =	ssyncset.done $0x0  }
0x9e: {  	[sflag:s23] =	ssyncadd.s32 $0xFFFFC000  }
0x9f: {  	_ =	sfence.sel $0x180000  }
0xa0: {  	[bflag:$0x0] =	sbarrier.arrive $0xFFFF  }
0xa1: {  	_ =	strace $0x90000047  }
0xa2: {  	s0 =	stileid.u32;
	[bflag:$0x2] =	sbarrier.arrive $0xFFFF  }
0xa3: {  	p0 =	sne.s32 s0, $0x0;
	s0 =	rddreg [dreg:$0x6]  }
0xa4: {  	s0 =	sadd.s32 @!p0 $0x100000, s0  }
0xa5: {  	[sflag:s0] =	ssyncadd.tile.s32 @!p0 $0x1;
	_ =	shalt  }
.Lfunc_end2:
_tile_overlayer_lowered:
.L_overlay_start_2:
0xa6: {  	(tag) =	ssettag $0x2  }
0xa7: {  	s0 =	rddreg [dreg:$0x0];
	s2 =	stileid.u32  }
0xa8: {  	s1 =	rddreg [dreg:$0x1];
	p0 =	sne.s32 s2, $0x0  }
0xa9: {  	s3 =	rddreg [dreg:$0x2];
	[bflag:$0x3] =	sbarrier.arrive $0xFFFF;
	s2 =	simm.s32 @!p0 $0x1C04  }
0xaa: {  	[timem:s3], [sflag:s2] =	dma.local @!p0 [hbm:s0], s1  }
0xab: {  	s0 =	simm.s32 @!p0 $0x4  }
0xac: {  	_ =	swait.ge @!p0 [sflag:s0], s1  }
0xad: {  	s1 =	ssub.s32 @!p0 $0x0, s1;
	[sflag:s0] =	ssyncset.done @!p0 $0x0  }
0xae: {  	[sflag:s0] =	ssyncadd.s32 @!p0 s1  }
0xaf: {  	[bflag:$0x3] =	sbarrier.arrive $0xFFFF  }
0xb0: {  	_ =	shalt  }

</sc_bundles>
